<compile_context>
chip_gen: v7x
topology: tpu7x:2x2x1
jax: 0.10.2.dev20260603
libtpu: 0.0.44.dev20260713+nightly
codegen_flags: <defaults>
</compile_context>

<pallas_src>
import functools

import jax
import jax.numpy as jnp
from jax import lax
from jax.experimental import pallas as pl
from jax.experimental.pallas import tpu as pltpu
from jax.experimental.pallas import tpu_sc as plsc

N = 8 * 512 * 512
NW = 32
PER_W = N // NW
CS = 16384
NCHUNK = PER_W // CS
DROWS = N // 128
CROWS = CS // 128
WROWS = PER_W // 128
NBBITS = 12
NB = 1 << NBBITS
SHIFT = 32 - NBBITS
HALF = NB // 2
L = 16
ROWS = 2 * NB // 128
CLS_ROWS = NB // 128
RT = (ROWS + 127) // 128
RPT = ROWS // RT

_mesh = plsc.VectorSubcoreMesh(core_axis_name="c", subcore_axis_name="s")


def _pack_body(p_ref, t_ref, o_ref):
    p = p_ref[0]
    t = t_ref[0]
    pb = lax.bitcast_convert_type(p, jnp.int32)
    ps = pb ^ (t << 31)
    o_ref[...] = lax.bitcast_convert_type((ps & ~1) | t, jnp.float32)


_pack_kernel = pl.pallas_call(
    _pack_body,
    grid=(8, 4),
    in_specs=[
        pl.BlockSpec((1, 512, 128), lambda a, cb: (a, 0, cb)),
        pl.BlockSpec((1, 512, 128), lambda a, cb: (a, 0, cb)),
    ],
    out_specs=pl.BlockSpec((512, 128), lambda a, cb: (a * 4 + cb, 0)),
    out_shape=jax.ShapeDtypeStruct((DROWS, 128), jnp.float32),
)


@functools.partial(
    pl.kernel,
    out_type=jax.ShapeDtypeStruct((2, 2, ROWS, 128), jnp.float32),
    mesh=_mesh,
    compiler_params=pltpu.CompilerParams(needs_layout_passes=False),
    scratch_types=[
        pltpu.VMEM((ROWS, 128), jnp.float32),
        pltpu.VMEM((ROWS, 128), jnp.float32),
        pltpu.VMEM((2, CROWS, 128), jnp.float32),
        pltpu.VMEM((RT, RPT), jnp.int32),
        pltpu.VMEM_SHARED((ROWS, 128), jnp.float32),
        pltpu.VMEM_SHARED((ROWS, 128), jnp.float32),
        pltpu.SemaphoreType.DMA,
        pltpu.SemaphoreType.DMA,
    ],
)
def _hist_kernel(x_hbm, out_hbm, cnt, sm, xbuf, idxrows, sh_cnt, sh_sm,
                 sem0, sem1):
    core = lax.axis_index("c")
    sid = lax.axis_index("s")
    wid = sid * 2 + core
    base = wid * WROWS
    sems = (sem0, sem1)

    def start(ci):
        k = ci % 2
        return pltpu.async_copy(
            x_hbm.at[pl.ds(base + ci * CROWS, CROWS)], xbuf.at[k], sems[k])

    pend = start(0)

    zeros = jnp.zeros((L,), jnp.float32)

    @plsc.parallel_loop(0, ROWS * 128, L, unroll=8)
    def _zero(i):
        cnt[i >> 7, pl.ds(i & 127, L)] = zeros
        sm[i >> 7, pl.ds(i & 127, L)] = zeros

    iot = lax.iota(jnp.int32, L)
    for k in range(RT):
        for j in range(RPT // L):
            idxrows[k, pl.ds(j * L, L)] = iot + (k * RPT + j * L)

    ones = jnp.ones((L,), jnp.float32)

    for ci in range(NCHUNK):
        k = ci % 2
        nxt = start(ci + 1) if ci + 1 < NCHUNK else None
        pend.wait()
        pend = nxt

        @plsc.parallel_loop(0, CS, L, unroll=8)
        def _body(j):
            x = xbuf[k, j >> 7, pl.ds(j & 127, L)]
            b = lax.bitcast_convert_type(x, jnp.int32)
            t = b & 1
            e = 1.0 + x
            s = lax.bitcast_convert_type(e, jnp.int32)
            key = s ^ ((s >> 31) & jnp.int32(0x7FFFFFFF))
            idx = (key >> SHIFT) + HALF + (t << NBBITS)
            row = idx >> 7
            lane = idx & 127
            plsc.addupdate_scatter(cnt, [row, lane], ones)
            plsc.addupdate_scatter(sm, [row, lane], jnp.maximum(e, 0.0))

    plsc.subcore_barrier()

    @pl.when(sid == 0)
    def _seed():
        pltpu.sync_copy(cnt, sh_cnt)
        pltpu.sync_copy(sm, sh_sm)

    plsc.subcore_barrier()

    @pl.when(sid != 0)
    def _accum():
        for k in range(RT):
            rows = pl.ds(k * RPT, RPT)
            pltpu.sync_copy(cnt.at[rows], sh_cnt.at[idxrows.at[k]], add=True)
            pltpu.sync_copy(sm.at[rows], sh_sm.at[idxrows.at[k]], add=True)

    plsc.subcore_barrier()

    @pl.when(sid == 0)
    def _flush():
        pltpu.sync_copy(sh_cnt, out_hbm.at[core, 0])
        pltpu.sync_copy(sh_sm, out_hbm.at[core, 1])


def _final_body(hin_ref, o_ref):
    h = hin_ref[0] + hin_ref[1]
    cnt = h[0]
    sm = h[1]
    lane = lax.broadcasted_iota(jnp.int32, (ROWS, 128), 1)
    c = cnt
    k = 1
    while k < 128:
        c = c + jnp.where(lane >= k, pltpu.roll(c, k, 1), 0.0)
        k *= 2
    row_tot = c[:, 127:128]
    row = lax.broadcasted_iota(jnp.int32, (ROWS, 1), 0)
    rmod = row & (CLS_ROWS - 1)
    r = row_tot
    k = 1
    while k < CLS_ROWS:
        r = r + jnp.where(rmod >= k, pltpu.roll(r, k, 0), 0.0)
        k *= 2
    cincl = c + (r - row_tot)
    c0 = cincl[0:CLS_ROWS, :]
    c1 = cincl[CLS_ROWS:ROWS, :]
    h0 = cnt[0:CLS_ROWS, :]
    h1 = cnt[CLS_ROWS:ROWS, :]
    d1 = jnp.float32(N) - c0
    d2 = d1 + h0
    q = c1 - h1
    d1s = jnp.maximum(d1, 1.0)
    w1 = jnp.where(d1 > 0, 1.0 / d1s, 0.0)
    w0f = jnp.where(h0 > 0, 1.0 / jnp.maximum(h0, 1.0), 0.0)
    w0 = jnp.where(d1 > 0, q / (d1s * jnp.maximum(d2, 1.0)), w0f)
    loss = jnp.sum(sm[CLS_ROWS:ROWS, :] * w1) + jnp.sum(sm[0:CLS_ROWS, :] * w0)
    o_ref[...] = jnp.reshape(loss, (1, 1))


_final_kernel = pl.pallas_call(
    _final_body,
    out_shape=jax.ShapeDtypeStruct((1, 1), jnp.float32),
)


def kernel(pred, target):
    packed = _pack_kernel(pred, target.astype(jnp.int32))
    hists = _hist_kernel(packed)
    return _final_kernel(hists).reshape(())

# --- scband reference (transcript-rebuilt; emitter-appended) ---
"""Pipeline reference for scband-lovasz-hinge-loss-77068893159842 (READ-ONLY COPY).

The authoritative reference and input builder live on the scoring server;
editing this copy changes nothing except your own understanding.
"""

import jax, jax.numpy as jnp
import numpy as np


def setup_inputs(seed: int = 0) -> dict:
    key = jax.random.key(seed)
    k1, k2 = jax.random.split(key)
    pred = jax.random.normal(k1, (8, 512, 512), dtype=jnp.float32)
    target = jax.random.randint(k2, (8, 512, 512), 0, 2, dtype=jnp.int32)
    return {"pred": pred, "target": target}


def lovasz_grad(gt_sorted):
    gts = gt_sorted.sum()
    intersection = gts - jnp.cumsum(gt_sorted.astype(jnp.float32), axis=0)
    union = gts + jnp.cumsum((1.0 - gt_sorted).astype(jnp.float32), axis=0)
    jaccard = 1.0 - intersection / union
    # jaccard[1:] = jaccard[1:] - jaccard[:-1]
    jaccard = jnp.concatenate([jaccard[:1], jaccard[1:] - jaccard[:-1]], axis=0)
    return jaccard


def reference(pred, target):
    logits = pred.reshape(-1)
    labels = target.reshape(-1).astype(jnp.float32)
    signs = 2.0 * labels - 1.0
    errors = 1.0 - logits * signs
    # descending sort of errors; perm are the sorting indices
    perm = jnp.argsort(-errors)
    errors_sorted = jnp.take(errors, perm)
    gt_sorted = jnp.take(labels, perm)
    grad = lovasz_grad(gt_sorted)
    loss = jnp.dot(jax.nn.relu(errors_sorted), grad)
    return loss

if __name__ == "__main__":
    import jax
    _d = setup_inputs()
    print(jax.jit(kernel)(*tuple(_d.values())))

</pallas_src>

<mosaic_0001>
#map = affine_map<(d0, d1) -> (0, 0)>
#map1 = affine_map<(d0, d1) -> (0, 0, 0, 0)>
module attributes {stable_mosaic.version = 14 : i64} {
  func.func @_hist_kernel(%arg0: i32, %arg1: i32, %arg2: memref<16384x128xf32, #tpu.memory_space<hbm>>, %arg3: memref<2x2x64x128xf32, #tpu.memory_space<hbm>>, %arg4: memref<64x128xf32, #tpu.memory_space<vmem>>, %arg5: memref<64x128xf32, #tpu.memory_space<vmem>>, %arg6: memref<2x128x128xf32, #tpu.memory_space<vmem>>, %arg7: memref<1x64xi32, #tpu.memory_space<vmem>>, %arg8: memref<64x128xf32, #tpu.memory_space<vmem_shared>>, %arg9: memref<64x128xf32, #tpu.memory_space<vmem_shared>>, %arg10: memref<!tpu.dma_semaphore, #tpu.memory_space<semaphore_mem>>, %arg11: memref<!tpu.dma_semaphore, #tpu.memory_space<semaphore_mem>>) attributes {dimension_semantics = [#tpu.dimension_semantics<core_parallel>, #tpu.dimension_semantics<subcore_parallel>], iteration_bounds = array<i64: 2, 16>, scalar_prefetch = 0 : i64, scratch_operands = 8 : i64, tpu.core_type = #tpu.core_type<sc_vector_subcore>, window_params = [{transform_indices = #map}, {transform_indices = #map1}]} {
    %mul3A = arith.constant 2 : i32
    %mul3A_0 = arith.muli %arg1, %mul3A : i32
    %add3A = arith.addi %mul3A_0, %arg0 : i32
    %mul3A_1 = arith.constant 512 : i32
    %mul3A_2 = arith.muli %add3A, %mul3A_1 : i32
    %add3A_3 = arith.constant 0 : i32
    %add3A_4 = arith.addi %mul3A_2, %add3A_3 : i32
    %dma_start3A = arith.constant 0 : i32
    %dma_start3A_5 = arith.constant 0 : i32
    %dma_start3A_6 = arith.constant 0 : i32
    %dma_start3A_7 = tpu.memref_slice %arg6[%dma_start3A, %dma_start3A_5, %dma_start3A_6] : memref<2x128x128xf32, #tpu.memory_space<vmem>> -> memref<1x128x128xf32, #tpu.memory_space<vmem>>
    %dma_start3A_8 = tpu.memref_squeeze %dma_start3A_7 : memref<1x128x128xf32, #tpu.memory_space<vmem>> -> memref<128x128xf32, #tpu.memory_space<vmem>>
    %dma_start3A_9 = arith.constant 0 : i32
    %dma_start3A_10 = tpu.memref_slice %arg2[%add3A_4, %dma_start3A_9] : memref<16384x128xf32, #tpu.memory_space<hbm>> -> memref<128x128xf32, #tpu.memory_space<hbm>>
    %dma_start3A_11 = arith.constant 0 : i32
    %dma_start3A_12 = arith.constant 0 : i32
    %dma_start3A_13 = tpu.memref_slice %arg6[%dma_start3A, %dma_start3A_11, %dma_start3A_12] : memref<2x128x128xf32, #tpu.memory_space<vmem>> -> memref<1x128x128xf32, #tpu.memory_space<vmem>>
    %dma_start3A_14 = tpu.memref_squeeze %dma_start3A_13 : memref<1x128x128xf32, #tpu.memory_space<vmem>> -> memref<128x128xf32, #tpu.memory_space<vmem>>
    %dma_start3A_15 = arith.constant 0 : i32
    %dma_start3A_16 = tpu.memref_slice %arg2[%add3A_4, %dma_start3A_15] : memref<16384x128xf32, #tpu.memory_space<hbm>> -> memref<128x128xf32, #tpu.memory_space<hbm>>
    tpu.enqueue_dma source(%dma_start3A_16 : memref<128x128xf32, #tpu.memory_space<hbm>>) target(%dma_start3A_14 : memref<128x128xf32, #tpu.memory_space<vmem>>) target_semaphore(%arg10 : memref<!tpu.dma_semaphore, #tpu.memory_space<semaphore_mem>>)
    %broadcast_in_dim3A = arith.constant 0.000000e+00 : f32
    %broadcast_in_dim3A_17 = vector.broadcast %broadcast_in_dim3A : f32 to vector<16xf32>
    %parallel_loop3A = arith.constant 0 : i32
    %parallel_loop3A_18 = arith.constant 8192 : i32
    %parallel_loop3A_19 = arith.constant 16 : i32
    scf.for %parallel_loop3A_170 = %parallel_loop3A to %parallel_loop3A_18 step %parallel_loop3A_19  : i32 {
      %parallel_loop3A_171 = arith.constant 7 : i32
      %parallel_loop3A_172 = arith.shrsi %parallel_loop3A_170, %parallel_loop3A_171 : i32
      %parallel_loop3A_173 = arith.constant 127 : i32
      %parallel_loop3A_174 = arith.andi %parallel_loop3A_170, %parallel_loop3A_173 : i32
      %parallel_loop3A_175 = arith.index_cast %parallel_loop3A_172 : i32 to index
      %parallel_loop3A_176 = arith.index_cast %parallel_loop3A_174 : i32 to index
      %parallel_loop3A_177 = tpu.vector_load %arg4[%parallel_loop3A_175, %parallel_loop3A_176] {strides = array<i32>} : memref<64x128xf32, #tpu.memory_space<vmem>>, vector<16xf32>,
      tpu.vector_store %arg4[%parallel_loop3A_175, %parallel_loop3A_176], %broadcast_in_dim3A_17 {strides = array<i32>} : memref<64x128xf32, #tpu.memory_space<vmem>>, vector<16xf32>,
      %parallel_loop3A_178 = arith.constant 7 : i32
      %parallel_loop3A_179 = arith.shrsi %parallel_loop3A_170, %parallel_loop3A_178 : i32
      %parallel_loop3A_180 = arith.constant 127 : i32
      %parallel_loop3A_181 = arith.andi %parallel_loop3A_170, %parallel_loop3A_180 : i32
      %parallel_loop3A_182 = arith.index_cast %parallel_loop3A_179 : i32 to index
      %parallel_loop3A_183 = arith.index_cast %parallel_loop3A_181 : i32 to index
      %parallel_loop3A_184 = tpu.vector_load %arg5[%parallel_loop3A_182, %parallel_loop3A_183] {strides = array<i32>} : memref<64x128xf32, #tpu.memory_space<vmem>>, vector<16xf32>,
      tpu.vector_store %arg5[%parallel_loop3A_182, %parallel_loop3A_183], %broadcast_in_dim3A_17 {strides = array<i32>} : memref<64x128xf32, #tpu.memory_space<vmem>>, vector<16xf32>,
    } {sc.loop_unroll_factor = 8 : i64, sc.parallel_access}
    %iota3A = tpu.iota {dimensions = array<i32: 0>} : vector<16xi32>
    %add3A_20 = arith.constant 0 : i32
    %add3A_21 = vector.broadcast %add3A_20 : i32 to vector<16xi32>
    %add3A_22 = arith.addi %iota3A, %add3A_21 : vector<16xi32>
    %swap3A = arith.constant 0 : i32
    %swap3A_23 = arith.index_cast %swap3A : i32 to index
    %swap3A_24 = arith.constant 0 : index
    %swap3A_25 = tpu.vector_load %arg7[%swap3A_23, %swap3A_24] {strides = array<i32>} : memref<1x64xi32, #tpu.memory_space<vmem>>, vector<16xi32>,
    tpu.vector_store %arg7[%swap3A_23, %swap3A_24], %add3A_22 {strides = array<i32>} : memref<1x64xi32, #tpu.memory_space<vmem>>, vector<16xi32>,
    %add3A_26 = arith.constant 16 : i32
    %add3A_27 = vector.broadcast %add3A_26 : i32 to vector<16xi32>
    %add3A_28 = arith.addi %iota3A, %add3A_27 : vector<16xi32>
    %swap3A_29 = arith.constant 0 : i32
    %swap3A_30 = arith.index_cast %swap3A_29 : i32 to index
    %swap3A_31 = arith.constant 16 : index
    %swap3A_32 = tpu.vector_load %arg7[%swap3A_30, %swap3A_31] {strides = array<i32>} : memref<1x64xi32, #tpu.memory_space<vmem>>, vector<16xi32>,
    tpu.vector_store %arg7[%swap3A_30, %swap3A_31], %add3A_28 {strides = array<i32>} : memref<1x64xi32, #tpu.memory_space<vmem>>, vector<16xi32>,
    %add3A_33 = arith.constant 32 : i32
    %add3A_34 = vector.broadcast %add3A_33 : i32 to vector<16xi32>
    %add3A_35 = arith.addi %iota3A, %add3A_34 : vector<16xi32>
    %swap3A_36 = arith.constant 0 : i32
    %swap3A_37 = arith.index_cast %swap3A_36 : i32 to index
    %swap3A_38 = arith.constant 32 : index
    %swap3A_39 = tpu.vector_load %arg7[%swap3A_37, %swap3A_38] {strides = array<i32>} : memref<1x64xi32, #tpu.memory_space<vmem>>, vector<16xi32>,
    tpu.vector_store %arg7[%swap3A_37, %swap3A_38], %add3A_35 {strides = array<i32>} : memref<1x64xi32, #tpu.memory_space<vmem>>, vector<16xi32>,
    %add3A_40 = arith.constant 48 : i32
    %add3A_41 = vector.broadcast %add3A_40 : i32 to vector<16xi32>
    %add3A_42 = arith.addi %iota3A, %add3A_41 : vector<16xi32>
    %swap3A_43 = arith.constant 0 : i32
    %swap3A_44 = arith.index_cast %swap3A_43 : i32 to index
    %swap3A_45 = arith.constant 48 : index
    %swap3A_46 = tpu.vector_load %arg7[%swap3A_44, %swap3A_45] {strides = array<i32>} : memref<1x64xi32, #tpu.memory_space<vmem>>, vector<16xi32>,
    tpu.vector_store %arg7[%swap3A_44, %swap3A_45], %add3A_42 {strides = array<i32>} : memref<1x64xi32, #tpu.memory_space<vmem>>, vector<16xi32>,
    %broadcast_in_dim3A_47 = arith.constant 1.000000e+00 : f32
    %broadcast_in_dim3A_48 = vector.broadcast %broadcast_in_dim3A_47 : f32 to vector<16xf32>
    %add3A_49 = arith.constant 128 : i32
    %add3A_50 = arith.addi %mul3A_2, %add3A_49 : i32
    %dma_start3A_51 = arith.constant 1 : i32
    %dma_start3A_52 = arith.constant 0 : i32
    %dma_start3A_53 = arith.constant 0 : i32
    %dma_start3A_54 = tpu.memref_slice %arg6[%dma_start3A_51, %dma_start3A_52, %dma_start3A_53] : memref<2x128x128xf32, #tpu.memory_space<vmem>> -> memref<1x128x128xf32, #tpu.memory_space<vmem>>
    %dma_start3A_55 = tpu.memref_squeeze %dma_start3A_54 : memref<1x128x128xf32, #tpu.memory_space<vmem>> -> memref<128x128xf32, #tpu.memory_space<vmem>>
    %dma_start3A_56 = arith.constant 0 : i32
    %dma_start3A_57 = tpu.memref_slice %arg2[%add3A_50, %dma_start3A_56] : memref<16384x128xf32, #tpu.memory_space<hbm>> -> memref<128x128xf32, #tpu.memory_space<hbm>>
    %dma_start3A_58 = arith.constant 0 : i32
    %dma_start3A_59 = arith.constant 0 : i32
    %dma_start3A_60 = tpu.memref_slice %arg6[%dma_start3A_51, %dma_start3A_58, %dma_start3A_59] : memref<2x128x128xf32, #tpu.memory_space<vmem>> -> memref<1x128x128xf32, #tpu.memory_space<vmem>>
    %dma_start3A_61 = tpu.memref_squeeze %dma_start3A_60 : memref<1x128x128xf32, #tpu.memory_space<vmem>> -> memref<128x128xf32, #tpu.memory_space<vmem>>
    %dma_start3A_62 = arith.constant 0 : i32
    %dma_start3A_63 = tpu.memref_slice %arg2[%add3A_50, %dma_start3A_62] : memref<16384x128xf32, #tpu.memory_space<hbm>> -> memref<128x128xf32, #tpu.memory_space<hbm>>
    tpu.enqueue_dma source(%dma_start3A_63 : memref<128x128xf32, #tpu.memory_space<hbm>>) target(%dma_start3A_61 : memref<128x128xf32, #tpu.memory_space<vmem>>) target_semaphore(%arg11 : memref<!tpu.dma_semaphore, #tpu.memory_space<semaphore_mem>>)
    %dma_wait3A = arith.constant 0 : i32
    %dma_wait3A_64 = arith.constant 0 : i32
    %dma_wait3A_65 = arith.constant 0 : i32
    %dma_wait3A_66 = tpu.memref_slice %arg6[%dma_wait3A, %dma_wait3A_64, %dma_wait3A_65] : memref<2x128x128xf32, #tpu.memory_space<vmem>> -> memref<1x128x128xf32, #tpu.memory_space<vmem>>
    %dma_wait3A_67 = tpu.memref_squeeze %dma_wait3A_66 : memref<1x128x128xf32, #tpu.memory_space<vmem>> -> memref<128x128xf32, #tpu.memory_space<vmem>>
    %dma_wait3A_68 = arith.constant 0 : i32
    %dma_wait3A_69 = tpu.memref_slice %arg2[%add3A_4, %dma_wait3A_68] : memref<16384x128xf32, #tpu.memory_space<hbm>> -> memref<128x128xf32, #tpu.memory_space<hbm>>
    %dma_wait3A_70 = arith.constant 0 : i32
    %dma_wait3A_71 = arith.constant 0 : i32
    %dma_wait3A_72 = tpu.memref_slice %arg6[%dma_wait3A, %dma_wait3A_70, %dma_wait3A_71] : memref<2x128x128xf32, #tpu.memory_space<vmem>> -> memref<1x128x128xf32, #tpu.memory_space<vmem>>
    %dma_wait3A_73 = tpu.memref_squeeze %dma_wait3A_72 : memref<1x128x128xf32, #tpu.memory_space<vmem>> -> memref<128x128xf32, #tpu.memory_space<vmem>>
    %dma_wait3A_74 = arith.constant 0 : i32
    %dma_wait3A_75 = tpu.memref_slice %arg2[%add3A_4, %dma_wait3A_74] : memref<16384x128xf32, #tpu.memory_space<hbm>> -> memref<128x128xf32, #tpu.memory_space<hbm>>
    tpu.wait_dma2 semaphore(%arg10 : memref<!tpu.dma_semaphore, #tpu.memory_space<semaphore_mem>>) src(%dma_wait3A_75 : memref<128x128xf32, #tpu.memory_space<hbm>>) dst(%dma_wait3A_73 : memref<128x128xf32, #tpu.memory_space<vmem>>)
    %parallel_loop3A_76 = arith.constant 0 : i32
    %parallel_loop3A_77 = arith.constant 16384 : i32
    %parallel_loop3A_78 = arith.constant 16 : i32
    scf.for %parallel_loop3A_170 = %parallel_loop3A_76 to %parallel_loop3A_77 step %parallel_loop3A_78  : i32 {
      %parallel_loop3A_171 = arith.constant 7 : i32
      %parallel_loop3A_172 = arith.shrsi %parallel_loop3A_170, %parallel_loop3A_171 : i32
      %parallel_loop3A_173 = arith.constant 127 : i32
      %parallel_loop3A_174 = arith.andi %parallel_loop3A_170, %parallel_loop3A_173 : i32
      %parallel_loop3A_175 = arith.constant 0 : i32
      %parallel_loop3A_176 = arith.index_cast %parallel_loop3A_175 : i32 to index
      %parallel_loop3A_177 = arith.index_cast %parallel_loop3A_172 : i32 to index
      %parallel_loop3A_178 = arith.index_cast %parallel_loop3A_174 : i32 to index
      %parallel_loop3A_179 = tpu.vector_load %arg6[%parallel_loop3A_176, %parallel_loop3A_177, %parallel_loop3A_178] {strides = array<i32>} : memref<2x128x128xf32, #tpu.memory_space<vmem>>, vector<16xf32>,
      %parallel_loop3A_180 = tpu.bitcast %parallel_loop3A_179 : vector<16xf32> -> vector<16xi32>
      %parallel_loop3A_181 = arith.constant 1 : i32
      %parallel_loop3A_182 = vector.broadcast %parallel_loop3A_181 : i32 to vector<16xi32>
      %parallel_loop3A_183 = arith.andi %parallel_loop3A_180, %parallel_loop3A_182 : vector<16xi32>
      %parallel_loop3A_184 = arith.constant 1.000000e+00 : f32
      %parallel_loop3A_185 = vector.broadcast %parallel_loop3A_184 : f32 to vector<16xf32>
      %parallel_loop3A_186 = arith.addf %parallel_loop3A_185, %parallel_loop3A_179 : vector<16xf32>
      %parallel_loop3A_187 = tpu.bitcast %parallel_loop3A_186 : vector<16xf32> -> vector<16xi32>
      %parallel_loop3A_188 = arith.constant 31 : i32
      %parallel_loop3A_189 = vector.broadcast %parallel_loop3A_188 : i32 to vector<16xi32>
      %parallel_loop3A_190 = arith.shrsi %parallel_loop3A_187, %parallel_loop3A_189 : vector<16xi32>
      %parallel_loop3A_191 = arith.constant 2147483647 : i32
      %parallel_loop3A_192 = vector.broadcast %parallel_loop3A_191 : i32 to vector<16xi32>
      %parallel_loop3A_193 = arith.andi %parallel_loop3A_190, %parallel_loop3A_192 : vector<16xi32>
      %parallel_loop3A_194 = arith.xori %parallel_loop3A_187, %parallel_loop3A_193 : vector<16xi32>
      %parallel_loop3A_195 = arith.constant 20 : i32
      %parallel_loop3A_196 = vector.broadcast %parallel_loop3A_195 : i32 to vector<16xi32>
      %parallel_loop3A_197 = arith.shrsi %parallel_loop3A_194, %parallel_loop3A_196 : vector<16xi32>
      %parallel_loop3A_198 = arith.constant 2048 : i32
      %parallel_loop3A_199 = vector.broadcast %parallel_loop3A_198 : i32 to vector<16xi32>
      %parallel_loop3A_200 = arith.addi %parallel_loop3A_197, %parallel_loop3A_199 : vector<16xi32>
      %parallel_loop3A_201 = arith.constant 12 : i32
      %parallel_loop3A_202 = vector.broadcast %parallel_loop3A_201 : i32 to vector<16xi32>
      %parallel_loop3A_203 = arith.shli %parallel_loop3A_183, %parallel_loop3A_202 : vector<16xi32>
      %parallel_loop3A_204 = arith.addi %parallel_loop3A_200, %parallel_loop3A_203 : vector<16xi32>
      %parallel_loop3A_205 = arith.constant 7 : i32
      %parallel_loop3A_206 = vector.broadcast %parallel_loop3A_205 : i32 to vector<16xi32>
      %parallel_loop3A_207 = arith.shrsi %parallel_loop3A_204, %parallel_loop3A_206 : vector<16xi32>
      %parallel_loop3A_208 = arith.constant 127 : i32
      %parallel_loop3A_209 = vector.broadcast %parallel_loop3A_208 : i32 to vector<16xi32>
      %parallel_loop3A_210 = arith.andi %parallel_loop3A_204, %parallel_loop3A_209 : vector<16xi32>
      tpu.vector_store_idx %arg4[%parallel_loop3A_207, %parallel_loop3A_210], %broadcast_in_dim3A_48 {add = true} : memref<64x128xf32, #tpu.memory_space<vmem>>[vector<16xi32>, vector<16xi32>], vector<16xf32>,
      %parallel_loop3A_211 = arith.constant 0.000000e+00 : f32
      %parallel_loop3A_212 = vector.broadcast %parallel_loop3A_211 : f32 to vector<16xf32>
      %parallel_loop3A_213 = arith.maximumf %parallel_loop3A_186, %parallel_loop3A_212 : vector<16xf32>
      tpu.vector_store_idx %arg5[%parallel_loop3A_207, %parallel_loop3A_210], %parallel_loop3A_213 {add = true} : memref<64x128xf32, #tpu.memory_space<vmem>>[vector<16xi32>, vector<16xi32>], vector<16xf32>,
    } {sc.loop_unroll_factor = 8 : i64, sc.parallel_access}
    %add3A_79 = arith.constant 256 : i32
    %add3A_80 = arith.addi %mul3A_2, %add3A_79 : i32
    %dma_start3A_81 = arith.constant 0 : i32
    %dma_start3A_82 = arith.constant 0 : i32
    %dma_start3A_83 = arith.constant 0 : i32
    %dma_start3A_84 = tpu.memref_slice %arg6[%dma_start3A_81, %dma_start3A_82, %dma_start3A_83] : memref<2x128x128xf32, #tpu.memory_space<vmem>> -> memref<1x128x128xf32, #tpu.memory_space<vmem>>
    %dma_start3A_85 = tpu.memref_squeeze %dma_start3A_84 : memref<1x128x128xf32, #tpu.memory_space<vmem>> -> memref<128x128xf32, #tpu.memory_space<vmem>>
    %dma_start3A_86 = arith.constant 0 : i32
    %dma_start3A_87 = tpu.memref_slice %arg2[%add3A_80, %dma_start3A_86] : memref<16384x128xf32, #tpu.memory_space<hbm>> -> memref<128x128xf32, #tpu.memory_space<hbm>>
    %dma_start3A_88 = arith.constant 0 : i32
    %dma_start3A_89 = arith.constant 0 : i32
    %dma_start3A_90 = tpu.memref_slice %arg6[%dma_start3A_81, %dma_start3A_88, %dma_start3A_89] : memref<2x128x128xf32, #tpu.memory_space<vmem>> -> memref<1x128x128xf32, #tpu.memory_space<vmem>>
    %dma_start3A_91 = tpu.memref_squeeze %dma_start3A_90 : memref<1x128x128xf32, #tpu.memory_space<vmem>> -> memref<128x128xf32, #tpu.memory_space<vmem>>
    %dma_start3A_92 = arith.constant 0 : i32
    %dma_start3A_93 = tpu.memref_slice %arg2[%add3A_80, %dma_start3A_92] : memref<16384x128xf32, #tpu.memory_space<hbm>> -> memref<128x128xf32, #tpu.memory_space<hbm>>
    tpu.enqueue_dma source(%dma_start3A_93 : memref<128x128xf32, #tpu.memory_space<hbm>>) target(%dma_start3A_91 : memref<128x128xf32, #tpu.memory_space<vmem>>) target_semaphore(%arg10 : memref<!tpu.dma_semaphore, #tpu.memory_space<semaphore_mem>>)
    %dma_wait3A_94 = arith.constant 1 : i32
    %dma_wait3A_95 = arith.constant 0 : i32
    %dma_wait3A_96 = arith.constant 0 : i32
    %dma_wait3A_97 = tpu.memref_slice %arg6[%dma_wait3A_94, %dma_wait3A_95, %dma_wait3A_96] : memref<2x128x128xf32, #tpu.memory_space<vmem>> -> memref<1x128x128xf32, #tpu.memory_space<vmem>>
    %dma_wait3A_98 = tpu.memref_squeeze %dma_wait3A_97 : memref<1x128x128xf32, #tpu.memory_space<vmem>> -> memref<128x128xf32, #tpu.memory_space<vmem>>
    %dma_wait3A_99 = arith.constant 0 : i32
    %dma_wait3A_100 = tpu.memref_slice %arg2[%add3A_50, %dma_wait3A_99] : memref<16384x128xf32, #tpu.memory_space<hbm>> -> memref<128x128xf32, #tpu.memory_space<hbm>>
    %dma_wait3A_101 = arith.constant 0 : i32
    %dma_wait3A_102 = arith.constant 0 : i32
    %dma_wait3A_103 = tpu.memref_slice %arg6[%dma_wait3A_94, %dma_wait3A_101, %dma_wait3A_102] : memref<2x128x128xf32, #tpu.memory_space<vmem>> -> memref<1x128x128xf32, #tpu.memory_space<vmem>>
    %dma_wait3A_104 = tpu.memref_squeeze %dma_wait3A_103 : memref<1x128x128xf32, #tpu.memory_space<vmem>> -> memref<128x128xf32, #tpu.memory_space<vmem>>
    %dma_wait3A_105 = arith.constant 0 : i32
    %dma_wait3A_106 = tpu.memref_slice %arg2[%add3A_50, %dma_wait3A_105] : memref<16384x128xf32, #tpu.memory_space<hbm>> -> memref<128x128xf32, #tpu.memory_space<hbm>>
    tpu.wait_dma2 semaphore(%arg11 : memref<!tpu.dma_semaphore, #tpu.memory_space<semaphore_mem>>) src(%dma_wait3A_106 : memref<128x128xf32, #tpu.memory_space<hbm>>) dst(%dma_wait3A_104 : memref<128x128xf32, #tpu.memory_space<vmem>>)
    %parallel_loop3A_107 = arith.constant 0 : i32
    %parallel_loop3A_108 = arith.constant 16384 : i32
    %parallel_loop3A_109 = arith.constant 16 : i32
    scf.for %parallel_loop3A_170 = %parallel_loop3A_107 to %parallel_loop3A_108 step %parallel_loop3A_109  : i32 {
      %parallel_loop3A_171 = arith.constant 7 : i32
      %parallel_loop3A_172 = arith.shrsi %parallel_loop3A_170, %parallel_loop3A_171 : i32
      %parallel_loop3A_173 = arith.constant 127 : i32
      %parallel_loop3A_174 = arith.andi %parallel_loop3A_170, %parallel_loop3A_173 : i32
      %parallel_loop3A_175 = arith.constant 1 : i32
      %parallel_loop3A_176 = arith.index_cast %parallel_loop3A_175 : i32 to index
      %parallel_loop3A_177 = arith.index_cast %parallel_loop3A_172 : i32 to index
      %parallel_loop3A_178 = arith.index_cast %parallel_loop3A_174 : i32 to index
      %parallel_loop3A_179 = tpu.vector_load %arg6[%parallel_loop3A_176, %parallel_loop3A_177, %parallel_loop3A_178] {strides = array<i32>} : memref<2x128x128xf32, #tpu.memory_space<vmem>>, vector<16xf32>,
      %parallel_loop3A_180 = tpu.bitcast %parallel_loop3A_179 : vector<16xf32> -> vector<16xi32>
      %parallel_loop3A_181 = arith.constant 1 : i32
      %parallel_loop3A_182 = vector.broadcast %parallel_loop3A_181 : i32 to vector<16xi32>
      %parallel_loop3A_183 = arith.andi %parallel_loop3A_180, %parallel_loop3A_182 : vector<16xi32>
      %parallel_loop3A_184 = arith.constant 1.000000e+00 : f32
      %parallel_loop3A_185 = vector.broadcast %parallel_loop3A_184 : f32 to vector<16xf32>
      %parallel_loop3A_186 = arith.addf %parallel_loop3A_185, %parallel_loop3A_179 : vector<16xf32>
      %parallel_loop3A_187 = tpu.bitcast %parallel_loop3A_186 : vector<16xf32> -> vector<16xi32>
      %parallel_loop3A_188 = arith.constant 31 : i32
      %parallel_loop3A_189 = vector.broadcast %parallel_loop3A_188 : i32 to vector<16xi32>
      %parallel_loop3A_190 = arith.shrsi %parallel_loop3A_187, %parallel_loop3A_189 : vector<16xi32>
      %parallel_loop3A_191 = arith.constant 2147483647 : i32
      %parallel_loop3A_192 = vector.broadcast %parallel_loop3A_191 : i32 to vector<16xi32>
      %parallel_loop3A_193 = arith.andi %parallel_loop3A_190, %parallel_loop3A_192 : vector<16xi32>
      %parallel_loop3A_194 = arith.xori %parallel_loop3A_187, %parallel_loop3A_193 : vector<16xi32>
      %parallel_loop3A_195 = arith.constant 20 : i32
      %parallel_loop3A_196 = vector.broadcast %parallel_loop3A_195 : i32 to vector<16xi32>
      %parallel_loop3A_197 = arith.shrsi %parallel_loop3A_194, %parallel_loop3A_196 : vector<16xi32>
      %parallel_loop3A_198 = arith.constant 2048 : i32
      %parallel_loop3A_199 = vector.broadcast %parallel_loop3A_198 : i32 to vector<16xi32>
      %parallel_loop3A_200 = arith.addi %parallel_loop3A_197, %parallel_loop3A_199 : vector<16xi32>
      %parallel_loop3A_201 = arith.constant 12 : i32
      %parallel_loop3A_202 = vector.broadcast %parallel_loop3A_201 : i32 to vector<16xi32>
      %parallel_loop3A_203 = arith.shli %parallel_loop3A_183, %parallel_loop3A_202 : vector<16xi32>
      %parallel_loop3A_204 = arith.addi %parallel_loop3A_200, %parallel_loop3A_203 : vector<16xi32>
      %parallel_loop3A_205 = arith.constant 7 : i32
      %parallel_loop3A_206 = vector.broadcast %parallel_loop3A_205 : i32 to vector<16xi32>
      %parallel_loop3A_207 = arith.shrsi %parallel_loop3A_204, %parallel_loop3A_206 : vector<16xi32>
      %parallel_loop3A_208 = arith.constant 127 : i32
      %parallel_loop3A_209 = vector.broadcast %parallel_loop3A_208 : i32 to vector<16xi32>
      %parallel_loop3A_210 = arith.andi %parallel_loop3A_204, %parallel_loop3A_209 : vector<16xi32>
      tpu.vector_store_idx %arg4[%parallel_loop3A_207, %parallel_loop3A_210], %broadcast_in_dim3A_48 {add = true} : memref<64x128xf32, #tpu.memory_space<vmem>>[vector<16xi32>, vector<16xi32>], vector<16xf32>,
      %parallel_loop3A_211 = arith.constant 0.000000e+00 : f32
      %parallel_loop3A_212 = vector.broadcast %parallel_loop3A_211 : f32 to vector<16xf32>
      %parallel_loop3A_213 = arith.maximumf %parallel_loop3A_186, %parallel_loop3A_212 : vector<16xf32>
      tpu.vector_store_idx %arg5[%parallel_loop3A_207, %parallel_loop3A_210], %parallel_loop3A_213 {add = true} : memref<64x128xf32, #tpu.memory_space<vmem>>[vector<16xi32>, vector<16xi32>], vector<16xf32>,
    } {sc.loop_unroll_factor = 8 : i64, sc.parallel_access}
    %add3A_110 = arith.constant 384 : i32
    %add3A_111 = arith.addi %mul3A_2, %add3A_110 : i32
    %dma_start3A_112 = arith.constant 1 : i32
    %dma_start3A_113 = arith.constant 0 : i32
    %dma_start3A_114 = arith.constant 0 : i32
    %dma_start3A_115 = tpu.memref_slice %arg6[%dma_start3A_112, %dma_start3A_113, %dma_start3A_114] : memref<2x128x128xf32, #tpu.memory_space<vmem>> -> memref<1x128x128xf32, #tpu.memory_space<vmem>>
    %dma_start3A_116 = tpu.memref_squeeze %dma_start3A_115 : memref<1x128x128xf32, #tpu.memory_space<vmem>> -> memref<128x128xf32, #tpu.memory_space<vmem>>
    %dma_start3A_117 = arith.constant 0 : i32
    %dma_start3A_118 = tpu.memref_slice %arg2[%add3A_111, %dma_start3A_117] : memref<16384x128xf32, #tpu.memory_space<hbm>> -> memref<128x128xf32, #tpu.memory_space<hbm>>
    %dma_start3A_119 = arith.constant 0 : i32
    %dma_start3A_120 = arith.constant 0 : i32
    %dma_start3A_121 = tpu.memref_slice %arg6[%dma_start3A_112, %dma_start3A_119, %dma_start3A_120] : memref<2x128x128xf32, #tpu.memory_space<vmem>> -> memref<1x128x128xf32, #tpu.memory_space<vmem>>
    %dma_start3A_122 = tpu.memref_squeeze %dma_start3A_121 : memref<1x128x128xf32, #tpu.memory_space<vmem>> -> memref<128x128xf32, #tpu.memory_space<vmem>>
    %dma_start3A_123 = arith.constant 0 : i32
    %dma_start3A_124 = tpu.memref_slice %arg2[%add3A_111, %dma_start3A_123] : memref<16384x128xf32, #tpu.memory_space<hbm>> -> memref<128x128xf32, #tpu.memory_space<hbm>>
    tpu.enqueue_dma source(%dma_start3A_124 : memref<128x128xf32, #tpu.memory_space<hbm>>) target(%dma_start3A_122 : memref<128x128xf32, #tpu.memory_space<vmem>>) target_semaphore(%arg11 : memref<!tpu.dma_semaphore, #tpu.memory_space<semaphore_mem>>)
    %dma_wait3A_125 = arith.constant 0 : i32
    %dma_wait3A_126 = arith.constant 0 : i32
    %dma_wait3A_127 = arith.constant 0 : i32
    %dma_wait3A_128 = tpu.memref_slice %arg6[%dma_wait3A_125, %dma_wait3A_126, %dma_wait3A_127] : memref<2x128x128xf32, #tpu.memory_space<vmem>> -> memref<1x128x128xf32, #tpu.memory_space<vmem>>
    %dma_wait3A_129 = tpu.memref_squeeze %dma_wait3A_128 : memref<1x128x128xf32, #tpu.memory_space<vmem>> -> memref<128x128xf32, #tpu.memory_space<vmem>>
    %dma_wait3A_130 = arith.constant 0 : i32
    %dma_wait3A_131 = tpu.memref_slice %arg2[%add3A_80, %dma_wait3A_130] : memref<16384x128xf32, #tpu.memory_space<hbm>> -> memref<128x128xf32, #tpu.memory_space<hbm>>
    %dma_wait3A_132 = arith.constant 0 : i32
    %dma_wait3A_133 = arith.constant 0 : i32
    %dma_wait3A_134 = tpu.memref_slice %arg6[%dma_wait3A_125, %dma_wait3A_132, %dma_wait3A_133] : memref<2x128x128xf32, #tpu.memory_space<vmem>> -> memref<1x128x128xf32, #tpu.memory_space<vmem>>
    %dma_wait3A_135 = tpu.memref_squeeze %dma_wait3A_134 : memref<1x128x128xf32, #tpu.memory_space<vmem>> -> memref<128x128xf32, #tpu.memory_space<vmem>>
    %dma_wait3A_136 = arith.constant 0 : i32
    %dma_wait3A_137 = tpu.memref_slice %arg2[%add3A_80, %dma_wait3A_136] : memref<16384x128xf32, #tpu.memory_space<hbm>> -> memref<128x128xf32, #tpu.memory_space<hbm>>
    tpu.wait_dma2 semaphore(%arg10 : memref<!tpu.dma_semaphore, #tpu.memory_space<semaphore_mem>>) src(%dma_wait3A_137 : memref<128x128xf32, #tpu.memory_space<hbm>>) dst(%dma_wait3A_135 : memref<128x128xf32, #tpu.memory_space<vmem>>)
    %parallel_loop3A_138 = arith.constant 0 : i32
    %parallel_loop3A_139 = arith.constant 16384 : i32
    %parallel_loop3A_140 = arith.constant 16 : i32
    scf.for %parallel_loop3A_170 = %parallel_loop3A_138 to %parallel_loop3A_139 step %parallel_loop3A_140  : i32 {
      %parallel_loop3A_171 = arith.constant 7 : i32
      %parallel_loop3A_172 = arith.shrsi %parallel_loop3A_170, %parallel_loop3A_171 : i32
      %parallel_loop3A_173 = arith.constant 127 : i32
      %parallel_loop3A_174 = arith.andi %parallel_loop3A_170, %parallel_loop3A_173 : i32
      %parallel_loop3A_175 = arith.constant 0 : i32
      %parallel_loop3A_176 = arith.index_cast %parallel_loop3A_175 : i32 to index
      %parallel_loop3A_177 = arith.index_cast %parallel_loop3A_172 : i32 to index
      %parallel_loop3A_178 = arith.index_cast %parallel_loop3A_174 : i32 to index
      %parallel_loop3A_179 = tpu.vector_load %arg6[%parallel_loop3A_176, %parallel_loop3A_177, %parallel_loop3A_178] {strides = array<i32>} : memref<2x128x128xf32, #tpu.memory_space<vmem>>, vector<16xf32>,
      %parallel_loop3A_180 = tpu.bitcast %parallel_loop3A_179 : vector<16xf32> -> vector<16xi32>
      %parallel_loop3A_181 = arith.constant 1 : i32
      %parallel_loop3A_182 = vector.broadcast %parallel_loop3A_181 : i32 to vector<16xi32>
      %parallel_loop3A_183 = arith.andi %parallel_loop3A_180, %parallel_loop3A_182 : vector<16xi32>
      %parallel_loop3A_184 = arith.constant 1.000000e+00 : f32
      %parallel_loop3A_185 = vector.broadcast %parallel_loop3A_184 : f32 to vector<16xf32>
      %parallel_loop3A_186 = arith.addf %parallel_loop3A_185, %parallel_loop3A_179 : vector<16xf32>
      %parallel_loop3A_187 = tpu.bitcast %parallel_loop3A_186 : vector<16xf32> -> vector<16xi32>
      %parallel_loop3A_188 = arith.constant 31 : i32
      %parallel_loop3A_189 = vector.broadcast %parallel_loop3A_188 : i32 to vector<16xi32>
      %parallel_loop3A_190 = arith.shrsi %parallel_loop3A_187, %parallel_loop3A_189 : vector<16xi32>
      %parallel_loop3A_191 = arith.constant 2147483647 : i32
      %parallel_loop3A_192 = vector.broadcast %parallel_loop3A_191 : i32 to vector<16xi32>
      %parallel_loop3A_193 = arith.andi %parallel_loop3A_190, %parallel_loop3A_192 : vector<16xi32>
      %parallel_loop3A_194 = arith.xori %parallel_loop3A_187, %parallel_loop3A_193 : vector<16xi32>
      %parallel_loop3A_195 = arith.constant 20 : i32
      %parallel_loop3A_196 = vector.broadcast %parallel_loop3A_195 : i32 to vector<16xi32>
      %parallel_loop3A_197 = arith.shrsi %parallel_loop3A_194, %parallel_loop3A_196 : vector<16xi32>
      %parallel_loop3A_198 = arith.constant 2048 : i32
      %parallel_loop3A_199 = vector.broadcast %parallel_loop3A_198 : i32 to vector<16xi32>
      %parallel_loop3A_200 = arith.addi %parallel_loop3A_197, %parallel_loop3A_199 : vector<16xi32>
      %parallel_loop3A_201 = arith.constant 12 : i32
      %parallel_loop3A_202 = vector.broadcast %parallel_loop3A_201 : i32 to vector<16xi32>
      %parallel_loop3A_203 = arith.shli %parallel_loop3A_183, %parallel_loop3A_202 : vector<16xi32>
      %parallel_loop3A_204 = arith.addi %parallel_loop3A_200, %parallel_loop3A_203 : vector<16xi32>
      %parallel_loop3A_205 = arith.constant 7 : i32
      %parallel_loop3A_206 = vector.broadcast %parallel_loop3A_205 : i32 to vector<16xi32>
      %parallel_loop3A_207 = arith.shrsi %parallel_loop3A_204, %parallel_loop3A_206 : vector<16xi32>
      %parallel_loop3A_208 = arith.constant 127 : i32
      %parallel_loop3A_209 = vector.broadcast %parallel_loop3A_208 : i32 to vector<16xi32>
      %parallel_loop3A_210 = arith.andi %parallel_loop3A_204, %parallel_loop3A_209 : vector<16xi32>
      tpu.vector_store_idx %arg4[%parallel_loop3A_207, %parallel_loop3A_210], %broadcast_in_dim3A_48 {add = true} : memref<64x128xf32, #tpu.memory_space<vmem>>[vector<16xi32>, vector<16xi32>], vector<16xf32>,
      %parallel_loop3A_211 = arith.constant 0.000000e+00 : f32
      %parallel_loop3A_212 = vector.broadcast %parallel_loop3A_211 : f32 to vector<16xf32>
      %parallel_loop3A_213 = arith.maximumf %parallel_loop3A_186, %parallel_loop3A_212 : vector<16xf32>
      tpu.vector_store_idx %arg5[%parallel_loop3A_207, %parallel_loop3A_210], %parallel_loop3A_213 {add = true} : memref<64x128xf32, #tpu.memory_space<vmem>>[vector<16xi32>, vector<16xi32>], vector<16xf32>,
    } {sc.loop_unroll_factor = 8 : i64, sc.parallel_access}
    %dma_wait3A_141 = arith.constant 1 : i32
    %dma_wait3A_142 = arith.constant 0 : i32
    %dma_wait3A_143 = arith.constant 0 : i32
    %dma_wait3A_144 = tpu.memref_slice %arg6[%dma_wait3A_141, %dma_wait3A_142, %dma_wait3A_143] : memref<2x128x128xf32, #tpu.memory_space<vmem>> -> memref<1x128x128xf32, #tpu.memory_space<vmem>>
    %dma_wait3A_145 = tpu.memref_squeeze %dma_wait3A_144 : memref<1x128x128xf32, #tpu.memory_space<vmem>> -> memref<128x128xf32, #tpu.memory_space<vmem>>
    %dma_wait3A_146 = arith.constant 0 : i32
    %dma_wait3A_147 = tpu.memref_slice %arg2[%add3A_111, %dma_wait3A_146] : memref<16384x128xf32, #tpu.memory_space<hbm>> -> memref<128x128xf32, #tpu.memory_space<hbm>>
    %dma_wait3A_148 = arith.constant 0 : i32
    %dma_wait3A_149 = arith.constant 0 : i32
    %dma_wait3A_150 = tpu.memref_slice %arg6[%dma_wait3A_141, %dma_wait3A_148, %dma_wait3A_149] : memref<2x128x128xf32, #tpu.memory_space<vmem>> -> memref<1x128x128xf32, #tpu.memory_space<vmem>>
    %dma_wait3A_151 = tpu.memref_squeeze %dma_wait3A_150 : memref<1x128x128xf32, #tpu.memory_space<vmem>> -> memref<128x128xf32, #tpu.memory_space<vmem>>
    %dma_wait3A_152 = arith.constant 0 : i32
    %dma_wait3A_153 = tpu.memref_slice %arg2[%add3A_111, %dma_wait3A_152] : memref<16384x128xf32, #tpu.memory_space<hbm>> -> memref<128x128xf32, #tpu.memory_space<hbm>>
    tpu.wait_dma2 semaphore(%arg11 : memref<!tpu.dma_semaphore, #tpu.memory_space<semaphore_mem>>) src(%dma_wait3A_153 : memref<128x128xf32, #tpu.memory_space<hbm>>) dst(%dma_wait3A_151 : memref<128x128xf32, #tpu.memory_space<vmem>>)
    %parallel_loop3A_154 = arith.constant 0 : i32
    %parallel_loop3A_155 = arith.constant 16384 : i32
    %parallel_loop3A_156 = arith.constant 16 : i32
    scf.for %parallel_loop3A_170 = %parallel_loop3A_154 to %parallel_loop3A_155 step %parallel_loop3A_156  : i32 {
      %parallel_loop3A_171 = arith.constant 7 : i32
      %parallel_loop3A_172 = arith.shrsi %parallel_loop3A_170, %parallel_loop3A_171 : i32
      %parallel_loop3A_173 = arith.constant 127 : i32
      %parallel_loop3A_174 = arith.andi %parallel_loop3A_170, %parallel_loop3A_173 : i32
      %parallel_loop3A_175 = arith.constant 1 : i32
      %parallel_loop3A_176 = arith.index_cast %parallel_loop3A_175 : i32 to index
      %parallel_loop3A_177 = arith.index_cast %parallel_loop3A_172 : i32 to index
      %parallel_loop3A_178 = arith.index_cast %parallel_loop3A_174 : i32 to index
      %parallel_loop3A_179 = tpu.vector_load %arg6[%parallel_loop3A_176, %parallel_loop3A_177, %parallel_loop3A_178] {strides = array<i32>} : memref<2x128x128xf32, #tpu.memory_space<vmem>>, vector<16xf32>,
      %parallel_loop3A_180 = tpu.bitcast %parallel_loop3A_179 : vector<16xf32> -> vector<16xi32>
      %parallel_loop3A_181 = arith.constant 1 : i32
      %parallel_loop3A_182 = vector.broadcast %parallel_loop3A_181 : i32 to vector<16xi32>
      %parallel_loop3A_183 = arith.andi %parallel_loop3A_180, %parallel_loop3A_182 : vector<16xi32>
      %parallel_loop3A_184 = arith.constant 1.000000e+00 : f32
      %parallel_loop3A_185 = vector.broadcast %parallel_loop3A_184 : f32 to vector<16xf32>
      %parallel_loop3A_186 = arith.addf %parallel_loop3A_185, %parallel_loop3A_179 : vector<16xf32>
      %parallel_loop3A_187 = tpu.bitcast %parallel_loop3A_186 : vector<16xf32> -> vector<16xi32>
      %parallel_loop3A_188 = arith.constant 31 : i32
      %parallel_loop3A_189 = vector.broadcast %parallel_loop3A_188 : i32 to vector<16xi32>
      %parallel_loop3A_190 = arith.shrsi %parallel_loop3A_187, %parallel_loop3A_189 : vector<16xi32>
      %parallel_loop3A_191 = arith.constant 2147483647 : i32
      %parallel_loop3A_192 = vector.broadcast %parallel_loop3A_191 : i32 to vector<16xi32>
      %parallel_loop3A_193 = arith.andi %parallel_loop3A_190, %parallel_loop3A_192 : vector<16xi32>
      %parallel_loop3A_194 = arith.xori %parallel_loop3A_187, %parallel_loop3A_193 : vector<16xi32>
      %parallel_loop3A_195 = arith.constant 20 : i32
      %parallel_loop3A_196 = vector.broadcast %parallel_loop3A_195 : i32 to vector<16xi32>
      %parallel_loop3A_197 = arith.shrsi %parallel_loop3A_194, %parallel_loop3A_196 : vector<16xi32>
      %parallel_loop3A_198 = arith.constant 2048 : i32
      %parallel_loop3A_199 = vector.broadcast %parallel_loop3A_198 : i32 to vector<16xi32>
      %parallel_loop3A_200 = arith.addi %parallel_loop3A_197, %parallel_loop3A_199 : vector<16xi32>
      %parallel_loop3A_201 = arith.constant 12 : i32
      %parallel_loop3A_202 = vector.broadcast %parallel_loop3A_201 : i32 to vector<16xi32>
      %parallel_loop3A_203 = arith.shli %parallel_loop3A_183, %parallel_loop3A_202 : vector<16xi32>
      %parallel_loop3A_204 = arith.addi %parallel_loop3A_200, %parallel_loop3A_203 : vector<16xi32>
      %parallel_loop3A_205 = arith.constant 7 : i32
      %parallel_loop3A_206 = vector.broadcast %parallel_loop3A_205 : i32 to vector<16xi32>
      %parallel_loop3A_207 = arith.shrsi %parallel_loop3A_204, %parallel_loop3A_206 : vector<16xi32>
      %parallel_loop3A_208 = arith.constant 127 : i32
      %parallel_loop3A_209 = vector.broadcast %parallel_loop3A_208 : i32 to vector<16xi32>
      %parallel_loop3A_210 = arith.andi %parallel_loop3A_204, %parallel_loop3A_209 : vector<16xi32>
      tpu.vector_store_idx %arg4[%parallel_loop3A_207, %parallel_loop3A_210], %broadcast_in_dim3A_48 {add = true} : memref<64x128xf32, #tpu.memory_space<vmem>>[vector<16xi32>, vector<16xi32>], vector<16xf32>,
      %parallel_loop3A_211 = arith.constant 0.000000e+00 : f32
      %parallel_loop3A_212 = vector.broadcast %parallel_loop3A_211 : f32 to vector<16xf32>
      %parallel_loop3A_213 = arith.maximumf %parallel_loop3A_186, %parallel_loop3A_212 : vector<16xf32>
      tpu.vector_store_idx %arg5[%parallel_loop3A_207, %parallel_loop3A_210], %parallel_loop3A_213 {add = true} : memref<64x128xf32, #tpu.memory_space<vmem>>[vector<16xi32>, vector<16xi32>], vector<16xf32>,
    } {sc.loop_unroll_factor = 8 : i64, sc.parallel_access}
    %barrier3A = arith.constant 0 : index
    tpu.barrier barrier_id(%barrier3A)
    %eq3A = arith.constant 0 : i32
    %eq3A_157 = arith.cmpi eq, %arg1, %eq3A : i32
    %convert_element_type3A = arith.extui %eq3A_157 : i1 to i32
    %cond3A = arith.constant 0 : i32
    %cond3A_158 = arith.cmpi ne, %convert_element_type3A, %cond3A : i32
    scf.if %cond3A_158 {
      "tpu.region"() ({
        %run_scoped3A = tpu.sem_alloc : memref<!tpu.dma_semaphore, #tpu.memory_space<semaphore_mem>>
        tpu.enqueue_dma source(%arg4 : memref<64x128xf32, #tpu.memory_space<vmem>>) target(%arg8 : memref<64x128xf32, #tpu.memory_space<vmem_shared>>) target_semaphore(%run_scoped3A : memref<!tpu.dma_semaphore, #tpu.memory_space<semaphore_mem>>)
        tpu.wait_dma2 semaphore(%run_scoped3A : memref<!tpu.dma_semaphore, #tpu.memory_space<semaphore_mem>>) src(%arg4 : memref<64x128xf32, #tpu.memory_space<vmem>>) dst(%arg8 : memref<64x128xf32, #tpu.memory_space<vmem_shared>>)
        tpu.yield
      }) : () -> ()
      "tpu.region"() ({
        %run_scoped3A = tpu.sem_alloc : memref<!tpu.dma_semaphore, #tpu.memory_space<semaphore_mem>>
        tpu.enqueue_dma source(%arg5 : memref<64x128xf32, #tpu.memory_space<vmem>>) target(%arg9 : memref<64x128xf32, #tpu.memory_space<vmem_shared>>) target_semaphore(%run_scoped3A : memref<!tpu.dma_semaphore, #tpu.memory_space<semaphore_mem>>)
        tpu.wait_dma2 semaphore(%run_scoped3A : memref<!tpu.dma_semaphore, #tpu.memory_space<semaphore_mem>>) src(%arg5 : memref<64x128xf32, #tpu.memory_space<vmem>>) dst(%arg9 : memref<64x128xf32, #tpu.memory_space<vmem_shared>>)
        tpu.yield
      }) : () -> ()
    } else {
    }
    %barrier3A_159 = arith.constant 0 : index
    tpu.barrier barrier_id(%barrier3A_159)
    %ne3A = arith.constant 0 : i32
    %ne3A_160 = arith.cmpi ne, %arg1, %ne3A : i32
    %convert_element_type3A_161 = arith.extui %ne3A_160 : i1 to i32
    %cond3A_162 = arith.constant 0 : i32
    %cond3A_163 = arith.cmpi ne, %convert_element_type3A_161, %cond3A_162 : i32
    scf.if %cond3A_163 {
      %run_scoped3A = arith.constant 0 : i32
      "tpu.region"() ({
        %run_scoped3A_171 = tpu.sem_alloc : memref<!tpu.dma_semaphore, #tpu.memory_space<semaphore_mem>>
        %dma_start3A_172 = arith.constant 0 : i32
        %dma_start3A_173 = arith.constant 0 : i32
        %dma_start3A_174 = tpu.memref_slice %arg4[%dma_start3A_172, %dma_start3A_173] : memref<64x128xf32, #tpu.memory_space<vmem>> -> memref<64x128xf32, #tpu.memory_space<vmem>>
        %dma_start3A_175 = arith.constant 0 : i32
        %dma_start3A_176 = tpu.memref_slice %arg7[%run_scoped3A, %dma_start3A_175] : memref<1x64xi32, #tpu.memory_space<vmem>> -> memref<1x64xi32, #tpu.memory_space<vmem>>
        %dma_start3A_177 = tpu.memref_squeeze %dma_start3A_176 : memref<1x64xi32, #tpu.memory_space<vmem>> -> memref<64xi32, #tpu.memory_space<vmem>>
        %dma_start3A_178 = arith.constant 0 : i32
        %dma_start3A_179 = arith.constant 0 : i32
        %dma_start3A_180 = tpu.memref_slice %arg8[%dma_start3A_178, %dma_start3A_179] : memref<64x128xf32, #tpu.memory_space<vmem_shared>> -> memref<64x128xf32, #tpu.memory_space<vmem_shared>>
        tpu.enqueue_indirect_dma source(%dma_start3A_174 : memref<64x128xf32, #tpu.memory_space<vmem>>) target(%dma_start3A_180 : memref<64x128xf32, #tpu.memory_space<vmem_shared>>) offsets(%dma_start3A_177 : memref<64xi32, #tpu.memory_space<vmem>>) semaphore(%run_scoped3A_171 : memref<!tpu.dma_semaphore, #tpu.memory_space<semaphore_mem>>) {add = true}
        %dma_wait3A_181 = arith.constant 0 : i32
        %dma_wait3A_182 = arith.constant 0 : i32
        %dma_wait3A_183 = tpu.memref_slice %arg4[%dma_wait3A_181, %dma_wait3A_182] : memref<64x128xf32, #tpu.memory_space<vmem>> -> memref<64x128xf32, #tpu.memory_space<vmem>>
        %dma_wait3A_184 = arith.constant 0 : i32
        %dma_wait3A_185 = tpu.memref_slice %arg7[%run_scoped3A, %dma_wait3A_184] : memref<1x64xi32, #tpu.memory_space<vmem>> -> memref<1x64xi32, #tpu.memory_space<vmem>>
        %dma_wait3A_186 = tpu.memref_squeeze %dma_wait3A_185 : memref<1x64xi32, #tpu.memory_space<vmem>> -> memref<64xi32, #tpu.memory_space<vmem>>
        %dma_wait3A_187 = arith.constant 0 : i32
        %dma_wait3A_188 = arith.constant 0 : i32
        %dma_wait3A_189 = tpu.memref_slice %arg8[%dma_wait3A_187, %dma_wait3A_188] : memref<64x128xf32, #tpu.memory_space<vmem_shared>> -> memref<64x128xf32, #tpu.memory_space<vmem_shared>>
        tpu.wait_indirect_dma semaphore(%run_scoped3A_171 : memref<!tpu.dma_semaphore, #tpu.memory_space<semaphore_mem>>) src(%dma_wait3A_183 : memref<64x128xf32, #tpu.memory_space<vmem>>) dst(%dma_wait3A_189 : memref<64x128xf32, #tpu.memory_space<vmem_shared>>)
        tpu.yield
      }) : () -> ()
      %run_scoped3A_170 = arith.constant 0 : i32
      "tpu.region"() ({
        %run_scoped3A_171 = tpu.sem_alloc : memref<!tpu.dma_semaphore, #tpu.memory_space<semaphore_mem>>
        %dma_start3A_172 = arith.constant 0 : i32
        %dma_start3A_173 = arith.constant 0 : i32
        %dma_start3A_174 = tpu.memref_slice %arg5[%dma_start3A_172, %dma_start3A_173] : memref<64x128xf32, #tpu.memory_space<vmem>> -> memref<64x128xf32, #tpu.memory_space<vmem>>
        %dma_start3A_175 = arith.constant 0 : i32
        %dma_start3A_176 = tpu.memref_slice %arg7[%run_scoped3A_170, %dma_start3A_175] : memref<1x64xi32, #tpu.memory_space<vmem>> -> memref<1x64xi32, #tpu.memory_space<vmem>>
        %dma_start3A_177 = tpu.memref_squeeze %dma_start3A_176 : memref<1x64xi32, #tpu.memory_space<vmem>> -> memref<64xi32, #tpu.memory_space<vmem>>
        %dma_start3A_178 = arith.constant 0 : i32
        %dma_start3A_179 = arith.constant 0 : i32
        %dma_start3A_180 = tpu.memref_slice %arg9[%dma_start3A_178, %dma_start3A_179] : memref<64x128xf32, #tpu.memory_space<vmem_shared>> -> memref<64x128xf32, #tpu.memory_space<vmem_shared>>
        tpu.enqueue_indirect_dma source(%dma_start3A_174 : memref<64x128xf32, #tpu.memory_space<vmem>>) target(%dma_start3A_180 : memref<64x128xf32, #tpu.memory_space<vmem_shared>>) offsets(%dma_start3A_177 : memref<64xi32, #tpu.memory_space<vmem>>) semaphore(%run_scoped3A_171 : memref<!tpu.dma_semaphore, #tpu.memory_space<semaphore_mem>>) {add = true}
        %dma_wait3A_181 = arith.constant 0 : i32
        %dma_wait3A_182 = arith.constant 0 : i32
        %dma_wait3A_183 = tpu.memref_slice %arg5[%dma_wait3A_181, %dma_wait3A_182] : memref<64x128xf32, #tpu.memory_space<vmem>> -> memref<64x128xf32, #tpu.memory_space<vmem>>
        %dma_wait3A_184 = arith.constant 0 : i32
        %dma_wait3A_185 = tpu.memref_slice %arg7[%run_scoped3A_170, %dma_wait3A_184] : memref<1x64xi32, #tpu.memory_space<vmem>> -> memref<1x64xi32, #tpu.memory_space<vmem>>
        %dma_wait3A_186 = tpu.memref_squeeze %dma_wait3A_185 : memref<1x64xi32, #tpu.memory_space<vmem>> -> memref<64xi32, #tpu.memory_space<vmem>>
        %dma_wait3A_187 = arith.constant 0 : i32
        %dma_wait3A_188 = arith.constant 0 : i32
        %dma_wait3A_189 = tpu.memref_slice %arg9[%dma_wait3A_187, %dma_wait3A_188] : memref<64x128xf32, #tpu.memory_space<vmem_shared>> -> memref<64x128xf32, #tpu.memory_space<vmem_shared>>
        tpu.wait_indirect_dma semaphore(%run_scoped3A_171 : memref<!tpu.dma_semaphore, #tpu.memory_space<semaphore_mem>>) src(%dma_wait3A_183 : memref<64x128xf32, #tpu.memory_space<vmem>>) dst(%dma_wait3A_189 : memref<64x128xf32, #tpu.memory_space<vmem_shared>>)
        tpu.yield
      }) : () -> ()
    } else {
    }
    %barrier3A_164 = arith.constant 0 : index
    tpu.barrier barrier_id(%barrier3A_164)
    %eq3A_165 = arith.constant 0 : i32
    %eq3A_166 = arith.cmpi eq, %arg1, %eq3A_165 : i32
    %convert_element_type3A_167 = arith.extui %eq3A_166 : i1 to i32
    %cond3A_168 = arith.constant 0 : i32
    %cond3A_169 = arith.cmpi ne, %convert_element_type3A_167, %cond3A_168 : i32
    scf.if %cond3A_169 {
      %run_scoped3A = arith.constant 0 : i32
      "tpu.region"() ({
        %run_scoped3A_171 = tpu.sem_alloc : memref<!tpu.dma_semaphore, #tpu.memory_space<semaphore_mem>>
        %dma_start3A_172 = arith.constant 0 : i32
        %dma_start3A_173 = arith.constant 0 : i32
        %dma_start3A_174 = tpu.memref_slice %arg3[%arg0, %run_scoped3A, %dma_start3A_172, %dma_start3A_173] : memref<2x2x64x128xf32, #tpu.memory_space<hbm>> -> memref<1x1x64x128xf32, #tpu.memory_space<hbm>>
        %dma_start3A_175 = tpu.memref_squeeze %dma_start3A_174 : memref<1x1x64x128xf32, #tpu.memory_space<hbm>> -> memref<64x128xf32, #tpu.memory_space<hbm>>
        tpu.enqueue_dma source(%arg8 : memref<64x128xf32, #tpu.memory_space<vmem_shared>>) target(%dma_start3A_175 : memref<64x128xf32, #tpu.memory_space<hbm>>) target_semaphore(%run_scoped3A_171 : memref<!tpu.dma_semaphore, #tpu.memory_space<semaphore_mem>>)
        %dma_wait3A_176 = arith.constant 0 : i32
        %dma_wait3A_177 = arith.constant 0 : i32
        %dma_wait3A_178 = tpu.memref_slice %arg3[%arg0, %run_scoped3A, %dma_wait3A_176, %dma_wait3A_177] : memref<2x2x64x128xf32, #tpu.memory_space<hbm>> -> memref<1x1x64x128xf32, #tpu.memory_space<hbm>>
        %dma_wait3A_179 = tpu.memref_squeeze %dma_wait3A_178 : memref<1x1x64x128xf32, #tpu.memory_space<hbm>> -> memref<64x128xf32, #tpu.memory_space<hbm>>
        tpu.wait_dma2 semaphore(%run_scoped3A_171 : memref<!tpu.dma_semaphore, #tpu.memory_space<semaphore_mem>>) src(%arg8 : memref<64x128xf32, #tpu.memory_space<vmem_shared>>) dst(%dma_wait3A_179 : memref<64x128xf32, #tpu.memory_space<hbm>>)
        tpu.yield
      }) : () -> ()
      %run_scoped3A_170 = arith.constant 1 : i32
      "tpu.region"() ({
        %run_scoped3A_171 = tpu.sem_alloc : memref<!tpu.dma_semaphore, #tpu.memory_space<semaphore_mem>>
        %dma_start3A_172 = arith.constant 0 : i32
        %dma_start3A_173 = arith.constant 0 : i32
        %dma_start3A_174 = tpu.memref_slice %arg3[%arg0, %run_scoped3A_170, %dma_start3A_172, %dma_start3A_173] : memref<2x2x64x128xf32, #tpu.memory_space<hbm>> -> memref<1x1x64x128xf32, #tpu.memory_space<hbm>>
        %dma_start3A_175 = tpu.memref_squeeze %dma_start3A_174 : memref<1x1x64x128xf32, #tpu.memory_space<hbm>> -> memref<64x128xf32, #tpu.memory_space<hbm>>
        tpu.enqueue_dma source(%arg9 : memref<64x128xf32, #tpu.memory_space<vmem_shared>>) target(%dma_start3A_175 : memref<64x128xf32, #tpu.memory_space<hbm>>) target_semaphore(%run_scoped3A_171 : memref<!tpu.dma_semaphore, #tpu.memory_space<semaphore_mem>>)
        %dma_wait3A_176 = arith.constant 0 : i32
        %dma_wait3A_177 = arith.constant 0 : i32
        %dma_wait3A_178 = tpu.memref_slice %arg3[%arg0, %run_scoped3A_170, %dma_wait3A_176, %dma_wait3A_177] : memref<2x2x64x128xf32, #tpu.memory_space<hbm>> -> memref<1x1x64x128xf32, #tpu.memory_space<hbm>>
        %dma_wait3A_179 = tpu.memref_squeeze %dma_wait3A_178 : memref<1x1x64x128xf32, #tpu.memory_space<hbm>> -> memref<64x128xf32, #tpu.memory_space<hbm>>
        tpu.wait_dma2 semaphore(%run_scoped3A_171 : memref<!tpu.dma_semaphore, #tpu.memory_space<semaphore_mem>>) src(%arg9 : memref<64x128xf32, #tpu.memory_space<vmem_shared>>) dst(%dma_wait3A_179 : memref<64x128xf32, #tpu.memory_space<hbm>>)
        tpu.yield
      }) : () -> ()
    } else {
    }
    return
  }
}

module attributes {stable_mosaic.version = 14 : i64} {
  func.func @_final_body(%arg0: memref<2x2x64x128xf32, #tpu.memory_space<vmem>>, %arg1: memref<1x1xf32, #tpu.memory_space<vmem>>) attributes {dimension_semantics = [], scalar_prefetch = 0 : i64, scratch_operands = 0 : i64, tpu.core_type = #tpu.core_type<tc>} {
    %get3A = arith.constant 0 : index
    %get3A_0 = arith.constant 0 : index
    %get3A_1 = arith.constant 0 : index
    %get3A_2 = arith.constant 0 : index
    %get3A_3 = vector.load %arg0[%get3A, %get3A_0, %get3A_1, %get3A_2] : memref<2x2x64x128xf32, #tpu.memory_space<vmem>>, vector<1x2x64x128xf32>
    %get3A_4 = vector.shape_cast %get3A_3 : vector<1x2x64x128xf32> to vector<2x64x128xf32>
    %get3A_5 = arith.constant 1 : index
    %get3A_6 = arith.constant 0 : index
    %get3A_7 = arith.constant 0 : index
    %get3A_8 = arith.constant 0 : index
    %get3A_9 = vector.load %arg0[%get3A_5, %get3A_6, %get3A_7, %get3A_8] : memref<2x2x64x128xf32, #tpu.memory_space<vmem>>, vector<1x2x64x128xf32>
    %get3A_10 = vector.shape_cast %get3A_9 : vector<1x2x64x128xf32> to vector<2x64x128xf32>
    %add3A = arith.addf %get3A_4, %get3A_10 : vector<2x64x128xf32>
    %slice3A = vector.extract_strided_slice %add3A {offsets = [0, 0, 0], sizes = [1, 64, 128], strides = [1, 1, 1]} : vector<2x64x128xf32> to vector<1x64x128xf32>
    %squeeze3A = vector.shape_cast %slice3A : vector<1x64x128xf32> to vector<64x128xf32>
    %slice3A_11 = vector.extract_strided_slice %add3A {offsets = [1, 0, 0], sizes = [1, 64, 128], strides = [1, 1, 1]} : vector<2x64x128xf32> to vector<1x64x128xf32>
    %squeeze3A_12 = vector.shape_cast %slice3A_11 : vector<1x64x128xf32> to vector<64x128xf32>
    %iota3A = tpu.iota {dimensions = array<i32: 1>} : vector<64x128xi32>
    %ge3A = arith.constant 1 : i32
    %ge3A_13 = vector.broadcast %ge3A : i32 to vector<64x128xi32>
    %ge3A_14 = arith.cmpi sge, %iota3A, %ge3A_13 : vector<64x128xi32>
    %roll3A = arith.constant 1 : i32
    %roll3A_15 = tpu.dynamic_rotate %squeeze3A by %roll3A dim 1 : vector<64x128xf32>, i32 -> vector<64x128xf32>
    %jit3A = arith.constant 0.000000e+00 : f32
    %broadcast_in_dim3A = vector.broadcast %jit3A : f32 to vector<64x128xf32>
    %select_n3A = arith.select %ge3A_14, %roll3A_15, %broadcast_in_dim3A : vector<64x128xi1>, vector<64x128xf32>
    %add3A_16 = arith.addf %squeeze3A, %select_n3A : vector<64x128xf32>
    %ge3A_17 = arith.constant 2 : i32
    %ge3A_18 = vector.broadcast %ge3A_17 : i32 to vector<64x128xi32>
    %ge3A_19 = arith.cmpi sge, %iota3A, %ge3A_18 : vector<64x128xi32>
    %roll3A_20 = arith.constant 2 : i32
    %roll3A_21 = tpu.dynamic_rotate %add3A_16 by %roll3A_20 dim 1 : vector<64x128xf32>, i32 -> vector<64x128xf32>
    %jit3A_22 = arith.constant 0.000000e+00 : f32
    %broadcast_in_dim3A_23 = vector.broadcast %jit3A_22 : f32 to vector<64x128xf32>
    %select_n3A_24 = arith.select %ge3A_19, %roll3A_21, %broadcast_in_dim3A_23 : vector<64x128xi1>, vector<64x128xf32>
    %add3A_25 = arith.addf %add3A_16, %select_n3A_24 : vector<64x128xf32>
    %ge3A_26 = arith.constant 4 : i32
    %ge3A_27 = vector.broadcast %ge3A_26 : i32 to vector<64x128xi32>
    %ge3A_28 = arith.cmpi sge, %iota3A, %ge3A_27 : vector<64x128xi32>
    %roll3A_29 = arith.constant 4 : i32
    %roll3A_30 = tpu.dynamic_rotate %add3A_25 by %roll3A_29 dim 1 : vector<64x128xf32>, i32 -> vector<64x128xf32>
    %jit3A_31 = arith.constant 0.000000e+00 : f32
    %broadcast_in_dim3A_32 = vector.broadcast %jit3A_31 : f32 to vector<64x128xf32>
    %select_n3A_33 = arith.select %ge3A_28, %roll3A_30, %broadcast_in_dim3A_32 : vector<64x128xi1>, vector<64x128xf32>
    %add3A_34 = arith.addf %add3A_25, %select_n3A_33 : vector<64x128xf32>
    %ge3A_35 = arith.constant 8 : i32
    %ge3A_36 = vector.broadcast %ge3A_35 : i32 to vector<64x128xi32>
    %ge3A_37 = arith.cmpi sge, %iota3A, %ge3A_36 : vector<64x128xi32>
    %roll3A_38 = arith.constant 8 : i32
    %roll3A_39 = tpu.dynamic_rotate %add3A_34 by %roll3A_38 dim 1 : vector<64x128xf32>, i32 -> vector<64x128xf32>
    %jit3A_40 = arith.constant 0.000000e+00 : f32
    %broadcast_in_dim3A_41 = vector.broadcast %jit3A_40 : f32 to vector<64x128xf32>
    %select_n3A_42 = arith.select %ge3A_37, %roll3A_39, %broadcast_in_dim3A_41 : vector<64x128xi1>, vector<64x128xf32>
    %add3A_43 = arith.addf %add3A_34, %select_n3A_42 : vector<64x128xf32>
    %ge3A_44 = arith.constant 16 : i32
    %ge3A_45 = vector.broadcast %ge3A_44 : i32 to vector<64x128xi32>
    %ge3A_46 = arith.cmpi sge, %iota3A, %ge3A_45 : vector<64x128xi32>
    %roll3A_47 = arith.constant 16 : i32
    %roll3A_48 = tpu.dynamic_rotate %add3A_43 by %roll3A_47 dim 1 : vector<64x128xf32>, i32 -> vector<64x128xf32>
    %jit3A_49 = arith.constant 0.000000e+00 : f32
    %broadcast_in_dim3A_50 = vector.broadcast %jit3A_49 : f32 to vector<64x128xf32>
    %select_n3A_51 = arith.select %ge3A_46, %roll3A_48, %broadcast_in_dim3A_50 : vector<64x128xi1>, vector<64x128xf32>
    %add3A_52 = arith.addf %add3A_43, %select_n3A_51 : vector<64x128xf32>
    %ge3A_53 = arith.constant 32 : i32
    %ge3A_54 = vector.broadcast %ge3A_53 : i32 to vector<64x128xi32>
    %ge3A_55 = arith.cmpi sge, %iota3A, %ge3A_54 : vector<64x128xi32>
    %roll3A_56 = arith.constant 32 : i32
    %roll3A_57 = tpu.dynamic_rotate %add3A_52 by %roll3A_56 dim 1 : vector<64x128xf32>, i32 -> vector<64x128xf32>
    %jit3A_58 = arith.constant 0.000000e+00 : f32
    %broadcast_in_dim3A_59 = vector.broadcast %jit3A_58 : f32 to vector<64x128xf32>
    %select_n3A_60 = arith.select %ge3A_55, %roll3A_57, %broadcast_in_dim3A_59 : vector<64x128xi1>, vector<64x128xf32>
    %add3A_61 = arith.addf %add3A_52, %select_n3A_60 : vector<64x128xf32>
    %ge3A_62 = arith.constant 64 : i32
    %ge3A_63 = vector.broadcast %ge3A_62 : i32 to vector<64x128xi32>
    %ge3A_64 = arith.cmpi sge, %iota3A, %ge3A_63 : vector<64x128xi32>
    %roll3A_65 = arith.constant 64 : i32
    %roll3A_66 = tpu.dynamic_rotate %add3A_61 by %roll3A_65 dim 1 : vector<64x128xf32>, i32 -> vector<64x128xf32>
    %jit3A_67 = arith.constant 0.000000e+00 : f32
    %broadcast_in_dim3A_68 = vector.broadcast %jit3A_67 : f32 to vector<64x128xf32>
    %select_n3A_69 = arith.select %ge3A_64, %roll3A_66, %broadcast_in_dim3A_68 : vector<64x128xi1>, vector<64x128xf32>
    %add3A_70 = arith.addf %add3A_61, %select_n3A_69 : vector<64x128xf32>
    %slice3A_71 = vector.extract_strided_slice %add3A_70 {offsets = [0, 127], sizes = [64, 1], strides = [1, 1]} : vector<64x128xf32> to vector<64x1xf32>
    %iota3A_72 = tpu.iota {dimensions = array<i32: 0>} : vector<64x1xi32>
    %and3A = arith.constant 31 : i32
    %and3A_73 = vector.broadcast %and3A : i32 to vector<64x1xi32>
    %and3A_74 = arith.andi %iota3A_72, %and3A_73 : vector<64x1xi32>
    %ge3A_75 = arith.constant 1 : i32
    %ge3A_76 = vector.broadcast %ge3A_75 : i32 to vector<64x1xi32>
    %ge3A_77 = arith.cmpi sge, %and3A_74, %ge3A_76 : vector<64x1xi32>
    %roll3A_78 = arith.constant 1 : i32
    %roll3A_79 = tpu.dynamic_rotate %slice3A_71 by %roll3A_78 dim 0 : vector<64x1xf32>, i32 -> vector<64x1xf32>
    %jit3A_80 = arith.constant 0.000000e+00 : f32
    %broadcast_in_dim3A_81 = vector.broadcast %jit3A_80 : f32 to vector<64x1xf32>
    %select_n3A_82 = arith.select %ge3A_77, %roll3A_79, %broadcast_in_dim3A_81 : vector<64x1xi1>, vector<64x1xf32>
    %add3A_83 = arith.addf %slice3A_71, %select_n3A_82 : vector<64x1xf32>
    %ge3A_84 = arith.constant 2 : i32
    %ge3A_85 = vector.broadcast %ge3A_84 : i32 to vector<64x1xi32>
    %ge3A_86 = arith.cmpi sge, %and3A_74, %ge3A_85 : vector<64x1xi32>
    %roll3A_87 = arith.constant 2 : i32
    %roll3A_88 = tpu.dynamic_rotate %add3A_83 by %roll3A_87 dim 0 : vector<64x1xf32>, i32 -> vector<64x1xf32>
    %jit3A_89 = arith.constant 0.000000e+00 : f32
    %broadcast_in_dim3A_90 = vector.broadcast %jit3A_89 : f32 to vector<64x1xf32>
    %select_n3A_91 = arith.select %ge3A_86, %roll3A_88, %broadcast_in_dim3A_90 : vector<64x1xi1>, vector<64x1xf32>
    %add3A_92 = arith.addf %add3A_83, %select_n3A_91 : vector<64x1xf32>
    %ge3A_93 = arith.constant 4 : i32
    %ge3A_94 = vector.broadcast %ge3A_93 : i32 to vector<64x1xi32>
    %ge3A_95 = arith.cmpi sge, %and3A_74, %ge3A_94 : vector<64x1xi32>
    %roll3A_96 = arith.constant 4 : i32
    %roll3A_97 = tpu.dynamic_rotate %add3A_92 by %roll3A_96 dim 0 : vector<64x1xf32>, i32 -> vector<64x1xf32>
    %jit3A_98 = arith.constant 0.000000e+00 : f32
    %broadcast_in_dim3A_99 = vector.broadcast %jit3A_98 : f32 to vector<64x1xf32>
    %select_n3A_100 = arith.select %ge3A_95, %roll3A_97, %broadcast_in_dim3A_99 : vector<64x1xi1>, vector<64x1xf32>
    %add3A_101 = arith.addf %add3A_92, %select_n3A_100 : vector<64x1xf32>
    %ge3A_102 = arith.constant 8 : i32
    %ge3A_103 = vector.broadcast %ge3A_102 : i32 to vector<64x1xi32>
    %ge3A_104 = arith.cmpi sge, %and3A_74, %ge3A_103 : vector<64x1xi32>
    %roll3A_105 = arith.constant 8 : i32
    %roll3A_106 = tpu.dynamic_rotate %add3A_101 by %roll3A_105 dim 0 : vector<64x1xf32>, i32 -> vector<64x1xf32>
    %jit3A_107 = arith.constant 0.000000e+00 : f32
    %broadcast_in_dim3A_108 = vector.broadcast %jit3A_107 : f32 to vector<64x1xf32>
    %select_n3A_109 = arith.select %ge3A_104, %roll3A_106, %broadcast_in_dim3A_108 : vector<64x1xi1>, vector<64x1xf32>
    %add3A_110 = arith.addf %add3A_101, %select_n3A_109 : vector<64x1xf32>
    %ge3A_111 = arith.constant 16 : i32
    %ge3A_112 = vector.broadcast %ge3A_111 : i32 to vector<64x1xi32>
    %ge3A_113 = arith.cmpi sge, %and3A_74, %ge3A_112 : vector<64x1xi32>
    %roll3A_114 = arith.constant 16 : i32
    %roll3A_115 = tpu.dynamic_rotate %add3A_110 by %roll3A_114 dim 0 : vector<64x1xf32>, i32 -> vector<64x1xf32>
    %jit3A_116 = arith.constant 0.000000e+00 : f32
    %broadcast_in_dim3A_117 = vector.broadcast %jit3A_116 : f32 to vector<64x1xf32>
    %select_n3A_118 = arith.select %ge3A_113, %roll3A_115, %broadcast_in_dim3A_117 : vector<64x1xi1>, vector<64x1xf32>
    %add3A_119 = arith.addf %add3A_110, %select_n3A_118 : vector<64x1xf32>
    %sub3A = arith.subf %add3A_119, %slice3A_71 : vector<64x1xf32>
    %add3A_120 = vector.broadcast %sub3A : vector<64x1xf32> to vector<64x128xf32>
    %add3A_121 = arith.addf %add3A_70, %add3A_120 : vector<64x128xf32>
    %slice3A_122 = vector.extract_strided_slice %add3A_121 {offsets = [0, 0], sizes = [32, 128], strides = [1, 1]} : vector<64x128xf32> to vector<32x128xf32>
    %slice3A_123 = vector.extract_strided_slice %add3A_121 {offsets = [32, 0], sizes = [32, 128], strides = [1, 1]} : vector<64x128xf32> to vector<32x128xf32>
    %slice3A_124 = vector.extract_strided_slice %squeeze3A {offsets = [0, 0], sizes = [32, 128], strides = [1, 1]} : vector<64x128xf32> to vector<32x128xf32>
    %slice3A_125 = vector.extract_strided_slice %squeeze3A {offsets = [32, 0], sizes = [32, 128], strides = [1, 1]} : vector<64x128xf32> to vector<32x128xf32>
    %sub3A_126 = arith.constant 0x4A000000 : f32
    %sub3A_127 = vector.broadcast %sub3A_126 : f32 to vector<32x128xf32>
    %sub3A_128 = arith.subf %sub3A_127, %slice3A_122 : vector<32x128xf32>
    %add3A_129 = arith.addf %sub3A_128, %slice3A_124 : vector<32x128xf32>
    %sub3A_130 = arith.subf %slice3A_123, %slice3A_125 : vector<32x128xf32>
    %max3A = arith.constant 1.000000e+00 : f32
    %max3A_131 = vector.broadcast %max3A : f32 to vector<32x128xf32>
    %max3A_132 = arith.maximumf %sub3A_128, %max3A_131 : vector<32x128xf32>
    %gt3A = arith.constant 0.000000e+00 : f32
    %gt3A_133 = vector.broadcast %gt3A : f32 to vector<32x128xf32>
    %gt3A_134 = arith.cmpf ogt, %sub3A_128, %gt3A_133 : vector<32x128xf32>
    %div3A = arith.constant 1.000000e+00 : f32
    %div3A_135 = vector.broadcast %div3A : f32 to vector<32x128xf32>
    %div3A_136 = arith.divf %div3A_135, %max3A_132 : vector<32x128xf32>
    %jit3A_137 = arith.constant 0.000000e+00 : f32
    %broadcast_in_dim3A_138 = vector.broadcast %jit3A_137 : f32 to vector<32x128xf32>
    %select_n3A_139 = arith.select %gt3A_134, %div3A_136, %broadcast_in_dim3A_138 : vector<32x128xi1>, vector<32x128xf32>
    %gt3A_140 = arith.constant 0.000000e+00 : f32
    %gt3A_141 = vector.broadcast %gt3A_140 : f32 to vector<32x128xf32>
    %gt3A_142 = arith.cmpf ogt, %slice3A_124, %gt3A_141 : vector<32x128xf32>
    %max3A_143 = arith.constant 1.000000e+00 : f32
    %max3A_144 = vector.broadcast %max3A_143 : f32 to vector<32x128xf32>
    %max3A_145 = arith.maximumf %slice3A_124, %max3A_144 : vector<32x128xf32>
    %div3A_146 = arith.constant 1.000000e+00 : f32
    %div3A_147 = vector.broadcast %div3A_146 : f32 to vector<32x128xf32>
    %div3A_148 = arith.divf %div3A_147, %max3A_145 : vector<32x128xf32>
    %jit3A_149 = arith.constant 0.000000e+00 : f32
    %broadcast_in_dim3A_150 = vector.broadcast %jit3A_149 : f32 to vector<32x128xf32>
    %select_n3A_151 = arith.select %gt3A_142, %div3A_148, %broadcast_in_dim3A_150 : vector<32x128xi1>, vector<32x128xf32>
    %gt3A_152 = arith.constant 0.000000e+00 : f32
    %gt3A_153 = vector.broadcast %gt3A_152 : f32 to vector<32x128xf32>
    %gt3A_154 = arith.cmpf ogt, %sub3A_128, %gt3A_153 : vector<32x128xf32>
    %max3A_155 = arith.constant 1.000000e+00 : f32
    %max3A_156 = vector.broadcast %max3A_155 : f32 to vector<32x128xf32>
    %max3A_157 = arith.maximumf %add3A_129, %max3A_156 : vector<32x128xf32>
    %mul3A = arith.mulf %max3A_132, %max3A_157 : vector<32x128xf32>
    %div3A_158 = arith.divf %sub3A_130, %mul3A : vector<32x128xf32>
    %select_n3A_159 = arith.select %gt3A_154, %div3A_158, %select_n3A_151 : vector<32x128xi1>, vector<32x128xf32>
    %slice3A_160 = vector.extract_strided_slice %squeeze3A_12 {offsets = [32, 0], sizes = [32, 128], strides = [1, 1]} : vector<64x128xf32> to vector<32x128xf32>
    %mul3A_161 = arith.mulf %slice3A_160, %select_n3A_139 : vector<32x128xf32>
    %reduce_sum3A = vector.shape_cast %mul3A_161 : vector<32x128xf32> to vector<1x32x128xf32>
    %reduce_sum3A_162 = arith.constant dense<0.000000e+00> : vector<1xf32>
    %reduce_sum3A_163 = vector.multi_reduction <add>, %reduce_sum3A, %reduce_sum3A_162 [1, 2] : vector<1x32x128xf32> to vector<1xf32>
    %reduce_sum3A_164 = vector.shape_cast %reduce_sum3A_163 : vector<1xf32> to vector<1x1x1xf32>
    %reduce_sum3A_165 = vector.extract %reduce_sum3A_164[0, 0, 0] : f32 from vector<1x1x1xf32>
    %slice3A_166 = vector.extract_strided_slice %squeeze3A_12 {offsets = [0, 0], sizes = [32, 128], strides = [1, 1]} : vector<64x128xf32> to vector<32x128xf32>
    %mul3A_167 = arith.mulf %slice3A_166, %select_n3A_159 : vector<32x128xf32>
    %reduce_sum3A_168 = vector.shape_cast %mul3A_167 : vector<32x128xf32> to vector<1x32x128xf32>
    %reduce_sum3A_169 = arith.constant dense<0.000000e+00> : vector<1xf32>
    %reduce_sum3A_170 = vector.multi_reduction <add>, %reduce_sum3A_168, %reduce_sum3A_169 [1, 2] : vector<1x32x128xf32> to vector<1xf32>
    %reduce_sum3A_171 = vector.shape_cast %reduce_sum3A_170 : vector<1xf32> to vector<1x1x1xf32>
    %reduce_sum3A_172 = vector.extract %reduce_sum3A_171[0, 0, 0] : f32 from vector<1x1x1xf32>
    %add3A_173 = arith.addf %reduce_sum3A_165, %reduce_sum3A_172 : f32
    %reshape3A = vector.broadcast %add3A_173 : f32 to vector<1x1xf32>
    %swap3A = arith.constant 0 : index
    %swap3A_174 = arith.constant 0 : index
    %swap3A_175 = vector.load %arg1[%swap3A, %swap3A_174] : memref<1x1xf32, #tpu.memory_space<vmem>>, vector<1x1xf32>
    tpu.vector_store %arg1[%swap3A, %swap3A_174], %reshape3A {strides = array<i32>} : memref<1x1xf32, #tpu.memory_space<vmem>>, vector<1x1xf32>,
    return
  }
}

module attributes {stable_mosaic.version = 14 : i64} {
  func.func @_pack_body(%arg0: i32, %arg1: i32, %arg2: memref<1x512x128xf32, #tpu.memory_space<vmem>>, %arg3: memref<1x512x128xi32, #tpu.memory_space<vmem>>, %arg4: memref<512x128xf32, #tpu.memory_space<vmem>>) attributes {dimension_semantics = [#tpu.dimension_semantics<arbitrary>, #tpu.dimension_semantics<arbitrary>], iteration_bounds = array<i64: 8, 4>, scalar_prefetch = 0 : i64, scratch_operands = 0 : i64, tpu.core_type = #tpu.core_type<tc>, window_params = [{transform_indices = @transform_0, window_bounds = array<i64: 1, 512, 128>}, {transform_indices = @transform_1, window_bounds = array<i64: 1, 512, 128>}, {transform_indices = @transform_2, window_bounds = array<i64: 512, 128>}]} {
    %get3A = arith.constant 0 : index
    %get3A_0 = arith.constant 0 : index
    %get3A_1 = arith.constant 0 : index
    %get3A_2 = vector.load %arg2[%get3A, %get3A_0, %get3A_1] : memref<1x512x128xf32, #tpu.memory_space<vmem>>, vector<1x512x128xf32>
    %get3A_3 = vector.shape_cast %get3A_2 : vector<1x512x128xf32> to vector<512x128xf32>
    %get3A_4 = arith.constant 0 : index
    %get3A_5 = arith.constant 0 : index
    %get3A_6 = arith.constant 0 : index
    %get3A_7 = vector.load %arg3[%get3A_4, %get3A_5, %get3A_6] : memref<1x512x128xi32, #tpu.memory_space<vmem>>, vector<1x512x128xi32>
    %get3A_8 = vector.shape_cast %get3A_7 : vector<1x512x128xi32> to vector<512x128xi32>
    %bitcast_convert_type3A = tpu.bitcast %get3A_3 : vector<512x128xf32> -> vector<512x128xi32>
    %shift_left3A = arith.constant 31 : i32
    %shift_left3A_9 = vector.broadcast %shift_left3A : i32 to vector<512x128xi32>
    %shift_left3A_10 = arith.shli %get3A_8, %shift_left3A_9 : vector<512x128xi32>
    %xor3A = arith.xori %bitcast_convert_type3A, %shift_left3A_10 : vector<512x128xi32>
    %and3A = arith.constant -2 : i32
    %and3A_11 = vector.broadcast %and3A : i32 to vector<512x128xi32>
    %and3A_12 = arith.andi %xor3A, %and3A_11 : vector<512x128xi32>
    %or3A = arith.ori %and3A_12, %get3A_8 : vector<512x128xi32>
    %bitcast_convert_type3A_13 = tpu.bitcast %or3A : vector<512x128xi32> -> vector<512x128xf32>
    %swap3A = arith.constant 0 : index
    %swap3A_14 = arith.constant 0 : index
    %swap3A_15 = vector.load %arg4[%swap3A, %swap3A_14] : memref<512x128xf32, #tpu.memory_space<vmem>>, vector<512x128xf32>
    tpu.vector_store %arg4[%swap3A, %swap3A_14], %bitcast_convert_type3A_13 {strides = array<i32>} : memref<512x128xf32, #tpu.memory_space<vmem>>, vector<512x128xf32>,
    return
  }
  func.func @transform_0(%arg0: i32, %arg1: i32) -> (i32, i32, i32) {
    %c0_i32 = arith.constant 0 : i32
    %c0_i32_0 = arith.constant 0 : i32
    return %arg0, %c0_i32, %arg1 : i32, i32, i32
  }
  func.func @transform_1(%arg0: i32, %arg1: i32) -> (i32, i32, i32) {
    %c0_i32 = arith.constant 0 : i32
    %c0_i32_0 = arith.constant 0 : i32
    return %arg0, %c0_i32, %arg1 : i32, i32, i32
  }
  func.func @transform_2(%arg0: i32, %arg1: i32) -> (i32, i32) {
    %mul3A = arith.constant 4 : i32
    %mul3A_0 = arith.muli %arg0, %mul3A : i32
    %add3A = arith.addi %mul3A_0, %arg1 : i32
    %c0_i32 = arith.constant 0 : i32
    %c0_i32_1 = arith.constant 0 : i32
    return %add3A, %c0_i32 : i32, i32
  }
}

</mosaic_0001>

<sc_bundles>
// kernel: kernel.5.cloned.1.call-start
scs
__scs_entry_jumppad:
0x0: {  	(pc) =	sbr.rel $0x88, $3  }
0x1: {  	(tag) =	ssettag $0x0;
	lr =	simm.s32 $0x1  }
0x2: {  	[smem:$0x3F9F] =	sst lr;
	_ =	strace $0xD0000000  }
0x3: {  	_ = 	snop  }
0x4: {  	_ = 	snop  }
0x5: {  	_ = 	snop  }
0x6: {  	_ = 	snop  }
0x7: {  	_ = 	snop  }
__scs_overlays_trampoline_lowered:
0x8: {  	[smem:$0x3FAE] =	sst s0  }
0x9: {  	[smem:$0x3FAF] =	sst s1  }
0xa: {  	[smem:$0x3FB0] =	sst s2  }
0xb: {  	[smem:$0x3FB1] =	sst s3  }
0xc: {  	[smem:$0x3FB2] =	sst s4  }
0xd: {  	[smem:$0x3FB3] =	sst s5  }
0xe: {  	[smem:$0x3FB4] =	sst s6  }
0xf: {  	[smem:$0x3FB5] =	sst s7  }
0x10: {  	[smem:$0x3FB6] =	sst s8  }
0x11: {  	[smem:$0x3FB7] =	sst s9;
	s0 =	simm.s32 @!p0 $0x0  }
0x12: {  	s1 =	sld [smem:$0x3F9D];
	s0 =	simm.s32 @p0 $0x1  }
0x13: {  	[smem:$0x3FB8] =	sst s0;
	s0 =	simm.s32 @!p1 $0x0  }
0x14: {  	s2 =	sld [smem:$0x3F9C];
	s0 =	simm.s32 @p1 $0x1  }
0x15: {  	[smem:$0x3FB9] =	sst s0;
	s0 =	simm.s32 @!p2 $0x0  }
0x16: {  	s3 =	sld [smem:$0x3FDB];
	s0 =	simm.s32 @p2 $0x1  }
0x17: {  	s4 =	simm.s32 $0x1BF5;
	[smem:$0x3FBB] =	sst s0  }
0x18: {  	s0 =	sld [smem:$0x3F9E];
	_ =	swait.ge [sflag:s4], $0x0  }
0x19: {  	s7 =	sld [smem:$0x3F9F]  }
0x1a: {  	s8 =	sadd.s32 $0xFFFFE003, lr  }
0x1b: {  	s9 =	sadd.s32 $0xFFFFFEF7, lr;
	s5 =	simm.s32 $0xFFFFFFFF;
	p2 =	slt.u32 s8, $0xFFFFF086  }
0x1c: {  	p1 =	slt.u32 s9, $0xF7A;
	s5 =	simm.s32 @!p2 $0x0  }
0x1d: {  	s5 =	simm.s32 @p1 $0x1;
	p0 =	seq.s32 s7, s2  }
0x1e: {  	s7 =	smul.u32 @!p0 $0xF7A, s2;
	p2 =	seq.s32 @!p0 s5, $0x0  }
0x1f: {  	s9 =	smul.u32 $0xF7A, s1;
	s8 =	simm.s32 @!p0 $0x1BF5;
	p2 =	por !p2, p0  }
0x20: {  	[sflag:s8] =	ssyncset.s32 @!p0 $0xFFFFF086;
	s6 =	sadd.s32 @!p0 s3, s7;
	s7 =	simm.s32 @!p0 $0x108  }
0x21: {  	s3 =	sadd.s32 s3, s9;
	s6 =	sadd.s32 @!p0 $0x88, s6;
	s7 =	simm.s32 @p2 $0x1082  }
0x22: {  	[simem:s7], [sflag:s8] =	dma.local @!p0 [hbm:s6], $0xF7A  }
0x23: {  	s9 =	sor.u32 $0xD0000000, s2;
	s6 =	simm.s32 $0x108;
	_ =	swait.ge @!p0 [sflag:s8], $0x0  }
0x24: {  	s3 =	sadd.s32 $0x88, s3;
	s6 =	simm.s32 @!p1 $0x1082;
	[sflag:s4] =	ssyncset.s32 $0xFFFFF086  }
0x25: {  	[simem:s6], [sflag:s4] =	dma.local [hbm:s3], $0xF7A  }
0x26: {  	[smem:$0x3F9F] =	sst s1;
	(tag) =	ssettag s2;
	_ =	strace s9  }
0x27: {  	s1 =	sld [smem:$0x3FAF]  }
0x28: {  	s2 =	sld [smem:$0x3FB0]  }
0x29: {  	s4 =	sld [smem:$0x3FB2]  }
0x2a: {  	p0 =	seq.s32 s5, $0x0;
	s5 =	sld [smem:$0x3FB3]  }
0x2b: {  	s6 =	sld [smem:$0x3FB4]  }
0x2c: {  	s7 =	sld [smem:$0x3FB5]  }
0x2d: {  	s3 =	simm.s32 $0x108;
	s8 =	sld [smem:$0x3FB6]  }
0x2e: {  	s3 =	simm.s32 @!p0 $0x1082;
	s9 =	sld [smem:$0x3FB7]  }
0x2f: {  	lr =	sadd.s32 s0, s3;
	s0 =	sld [smem:$0x3FAE]  }
0x30: {  	s3 =	sld [smem:$0x3FB1]  }
0x31: {  	[smem:$0x3FBA] =	sst s10  }
0x32: {  	s10 =	sld [smem:$0x3FB8];
	_ =	sdelay $0x3  }
0x33: {  	p0 =	seq.s32 s10, $0x1;
	s10 =	sld [smem:$0x3FBA];
	_ =	sdelay $0x3  }
0x34: {  	[smem:$0x3FBA] =	sst s10  }
0x35: {  	s10 =	sld [smem:$0x3FB9];
	_ =	sdelay $0x3  }
0x36: {  	p1 =	seq.s32 s10, $0x1;
	s10 =	sld [smem:$0x3FBA];
	_ =	sdelay $0x3  }
0x37: {  	[smem:$0x3FBA] =	sst s10  }
0x38: {  	s10 =	sld [smem:$0x3FBB]  }
0x39: {  	_ = 	snop;
	(pc) =	sbr.ind lr, $3  }
0x3a: {  	_ = 	snop  }
0x3b: {  	_ = 	snop  }
0x3c: {  	p2 =	seq.s32 s10, $0x1;
	s10 =	sld [smem:$0x3FBA]  }
0x3d: {  	_ =	shalt  }
0x3e: {  	_ =	shalt  }
0x3f: {  	_ =	shalt  }
0x40: {  	_ =	shalt  }
0x41: {  	_ =	shalt  }
0x42: {  	_ =	shalt  }
0x43: {  	_ =	shalt  }
0x44: {  	_ =	shalt  }
0x45: {  	_ =	shalt  }
0x46: {  	_ =	shalt  }
0x47: {  	_ =	shalt  }
0x48: {  	_ =	shalt  }
0x49: {  	_ =	shalt  }
0x4a: {  	_ =	shalt  }
0x4b: {  	_ =	shalt  }
0x4c: {  	_ =	shalt  }
0x4d: {  	_ =	shalt  }
0x4e: {  	_ =	shalt  }
0x4f: {  	_ =	shalt  }
0x50: {  	_ =	shalt  }
0x51: {  	_ =	shalt  }
0x52: {  	_ =	shalt  }
0x53: {  	_ =	shalt  }
0x54: {  	_ =	shalt  }
0x55: {  	_ =	shalt  }
0x56: {  	_ =	shalt  }
0x57: {  	_ =	shalt  }
0x58: {  	_ =	shalt  }
0x59: {  	_ =	shalt  }
0x5a: {  	_ =	shalt  }
0x5b: {  	_ =	shalt  }
0x5c: {  	_ =	shalt  }
0x5d: {  	_ =	shalt  }
0x5e: {  	_ =	shalt  }
0x5f: {  	_ =	shalt  }
0x60: {  	_ =	shalt  }
0x61: {  	_ =	shalt  }
0x62: {  	_ =	shalt  }
0x63: {  	_ =	shalt  }
0x64: {  	_ =	shalt  }
0x65: {  	_ =	shalt  }
0x66: {  	_ =	shalt  }
0x67: {  	_ =	shalt  }
0x68: {  	_ =	shalt  }
0x69: {  	_ =	shalt  }
0x6a: {  	_ =	shalt  }
0x6b: {  	_ =	shalt  }
0x6c: {  	_ =	shalt  }
0x6d: {  	_ =	shalt  }
0x6e: {  	_ =	shalt  }
0x6f: {  	_ =	shalt  }
0x70: {  	_ =	shalt  }
0x71: {  	_ =	shalt  }
0x72: {  	_ =	shalt  }
0x73: {  	_ =	shalt  }
0x74: {  	_ =	shalt  }
0x75: {  	_ =	shalt  }
0x76: {  	_ =	shalt  }
0x77: {  	_ =	shalt  }
0x78: {  	_ =	shalt  }
0x79: {  	_ =	shalt  }
0x7a: {  	_ =	shalt  }
0x7b: {  	_ =	shalt  }
0x7c: {  	_ =	shalt  }
0x7d: {  	_ =	shalt  }
0x7e: {  	_ =	shalt  }
0x7f: {  	_ =	shalt  }
0x80: {  	_ =	shalt  }
0x81: {  	_ =	shalt  }
0x82: {  	_ =	shalt  }
0x83: {  	_ =	shalt  }
0x84: {  	_ =	shalt  }
0x85: {  	_ =	shalt  }
0x86: {  	_ =	shalt  }
0x87: {  	_ =	shalt  }
.Lfunc_end0:
.L_simem_size_0:
called_computation_lowered:
.L_overlay_start_0:
0x88: {  	s2 =	sld [smem:$0x3FD9]  }
0x89: {  	s3 =	sld [smem:$0x3FFE];
	_ =	sdelay $0x1  }
0x8a: {  	s1 =	srdreg.scid  }
0x8b: {  	s0 =	sand.u32 $0x1, s1  }
0x8c: {  	s16 =	sshll.u32 s0, $0xA;
	s2 =	sadd.s32 s3, s2  }
0x8d: {  	s2 =	sadd.s32 s2, s16  }
0x8e: {  	[smem:$0x3FC6] =	sst s2  }
0x8f: {  	_ = 	snop  }
0x90: {  	(tm) =	ssettm $0x1  }
0x91: {  	s17 =	sld [smem:$0x3FFB];
	_ =	sdelay $0x3  }
0x92: {  	_ =	strace s17  }
0x93: {  	s2 =	sld [smem:$0x3FFC];
	_ =	sdelay $0x3  }
0x94: {  	_ =	strace s2  }
0x95: {  	s2 =	sld [smem:$0x3FFD];
	_ =	sdelay $0x3  }
0x96: {  	_ =	strace s2  }
0x97: {  	_ =	strace $0x8FFFFFFF  }
0x98: {  	s18 =	sld [smem:$0x3FDB];
	_ =	sdelay $0x1  }
0x99: {  	s19 =	simm.s32 $_scs_section_size  }
0x9a: {  	s4 =	simm.s32 $_size__tile_overlayer_lowered;
	s5 =	simm.s32 $_tile_overlayer_lowered  }
0x9b: {  	s22 =	simm.s32 $0x1BFF;
	s21 =	sshll.u32 s5, $0x1;
	s2 =	sadd.s32 s19, s18  }
0x9c: {  	s6 =	simm.s32 $0x0;
	s20 =	sshll.u32 s4, $0x1;
	s4 =	sadd.s32 s21, s2  }
0x9d: {  	[timem:s6], [sflag:s22] =	dma.local [hbm:s4], s20  }
0x9e: {  	_ =	swait.ge [sflag:s22], s20  }
0x9f: {  	s3 =	ssub.s32 $0x0, s20;
	[sflag:s22] =	ssyncset.done $0x0  }
0xa0: {  	[sflag:s22] =	ssyncadd.s32 s3;
	_ =	sdelay $0x1  }
0xa1: {  	s23 =	simm.s32 $0x1B8B  }
0xa2: {  	_ =	swait.ge [sflag:s23], $0x1  }
0xa3: {  	[sflag:s23] =	ssyncset.done $0x0  }
0xa4: {  	s25 =	simm.s32 $0x1B8E;
	s24 =	sld [smem:$0x3FFE];
	[sflag:s23] =	ssyncadd.s32 $0xFFFFFFFF  }
0xa5: {  	s26 =	simm.s32 $execute0_lowered;
	[smem:$0x3FD2] =	sst s25  }
0xa6: {  	s4 =	sshll.u32 s26, $0x1;
	_ =	strace $0x80000046;
	[dreg:$0x1] =	wrdreg $0xFFFFFFFF  }
0xa7: {  	s28 =	simm.s32 $_size_execute0_lowered;
	s2 =	sadd.s32 s2, s4;
	[dreg:$0x0] =	wrdreg $0x0  }
0xa8: {  	s4 =	sshll.u32 s28, $0x1;
	[dreg:$0x2] =	wrdreg s2  }
0xa9: {  	[dreg:$0x3] =	wrdreg s4  }
0xaa: {  	[dreg:$0x4] =	wrdreg $0xC0  }
0xab: {  	_ =	task [dreg:s6], $0x5FFFF  }
0xac: {  	[dreg:$0x1] =	wrdreg $0xFFFFFFFF  }
0xad: {  	[dreg:$0x0] =	wrdreg $0x60  }
0xae: {  	[dreg:$0x2] =	wrdreg s24  }
0xaf: {  	[dreg:$0x3] =	wrdreg $0xC0800  }
0xb0: {  	[dreg:$0x4] =	wrdreg $0xC2800  }
0xb1: {  	[dreg:$0x5] =	wrdreg $0x9  }
0xb2: {  	_ =	task.clear_ibuf [dreg:s6], $0x6FFFF;
	_ =	strace $0x90000046  }
0xb3: {  	s29 =	simm.s32 $0x9;
	_ =	strace $0x80000048  }
0xb4: {  	_ =	swait.ge [sflag:s29], $0x1  }
0xb5: {  	[sflag:s29] =	ssyncadd.s32 $0xFFFFFFFF  }
0xb6: {  	_ =	strace $0x90000048  }
0xb7: {  	_ =	sfence  }
0xb8: {  	s30 =	sld [smem:$0x0];
	_ =	sdelay $0x2  }
0xb9: {  	s31 =	sshll.u32 s1, $0xD;
	s1 =	sshrl.u32 s1, $0x2  }
0xba: {  	s3 =	sand.u32 $0x4000, s31;
	s1 =	sadd.s32 s1, s30  }
0xbb: {  	s0 =	sor.u32 s3, s0;
	s1 =	sshll.u32 s1, $0x11  }
0xbc: {  	s0 =	sor.u32 s1, s0  }
0xbd: {  	s0 =	sadd.s32 $0x8F2B, s0  }
0xbe: {  	[sflag:s0] =	ssyncadd.remote.s32 $0x1  }
0xbf: {  	_ =	sfence.sel $0xFFFF  }
0xc0: {  	[dreg:$0x0] =	wrdreg $0xFFFFFFFF;
	(pc) =	sbr.abs _section_cstart, $3  }
0xc1: {  	[dreg:$0x1] =	wrdreg $0xFFFFFFFF  }
0xc2: {  	_ =	task.clear_ibuf [dreg:s6], $0x2FFFF;
	_ =	strace $0x9FFFFFFF  }
0xc3: {  	(tm) =	ssettm $0x7FFFFFFF  }
tec
execute0_lowered:
.L_overlay_start_1:
0x0: {  	(tag) =	ssettag $0x1  }
0x1: {  	s5 =	rddreg [dreg:$0x0]  }
0x2: {  	s1 =	rddreg [dreg:$0x1]  }
0x3: {  	s2 =	rddreg [dreg:$0x2]  }
0x4: {  	s0 =	rddreg [dreg:$0x3];
	s4 =	simm.s32 $0x0;
	s6 =	srdreg.scid  }
0x5: {  	s3 =	stileid.u32;
	s12 =	simm.s32 $0x4000;
	s13 =	simm.s32 $0x8000  }
0x6: {  	s14 =	simm.s32 $0x1;
	s15 =	simm.s32 $0x2000;
	s16 =	simm.s32 $0x2  }
0x7: {  	s17 =	simm.s32 $0x0;
	[smem:$0x7FF] =	sst s4;
	s6 =	sand.u32 $0x1, s6  }
0x8: {  	s7 =	sshll.u32 s3, $0xE;
	p0 =	seq.s32 s3, $0x0;
	s8 =	sshll.u32 s6, $0xD  }
0x9: {  	s30 =	sshll.u32 s6, $0xB;
	s6 =	ssub.s32 $0x2, s6;
	s7 =	sor.u32 s8, s7  }
0xa: {  	_ =	strace $0x80000047;
	s31 =	sshrl.u32 s6, $0x1;
	s9 =	sadd.s32 s7, s5  }
0xb: {  	s10 =	sadd.s32 s30, s5;
	s11 =	ssub.s32 s6, s31;
	s5 =	sadd.s32 $0xA00, s9  }
0xc: {  	v0 =	vlaneseq.u32;
	v1 =	vimm.f32 $0.0e+00;
	v5 =	vimm.f32 $1.000000000e+00;
	s6 =	sadd.s32 $0x1200, s9;
	s7 =	sadd.s32 $0x1A00, s9;
	s8 =	sadd.s32 $0x2200, s9  }
0xd: {  	v2 =	vor.u32 $0x10, v0;
	v3 =	vor.u32 $0x20, v0;
	v4 =	vor.u32 $0x30, v0;
	s9 =	sadd.s32 $0x40A00, s10;
	s10 =	sadd.s32 $0x40E00, s10;
	s11 =	smax.u32 s11, $0x1  }
.LBB2_1:
0xe: {  	[tilespmem:s12], [sflag:$0x1] =	stream.linear.gather [hbm4b:s5+s4], $0x4000, $0x38;
	[tilespmem:$0xC480] =	vst v63  }
0xf: {  	s18 =	simm.s32 $0x40  }
0x10: {  	[tilespmem:s18+$0x30] =	vst v1  }
0x11: {  	[tilespmem:s18+$0xFFFFFFF0] =	vst v1  }
0x12: {  	[tilespmem:s18+$0xFFFFFFC0] =	vst v1  }
0x13: {  	[tilespmem:s18+$0xFFFFFFE0] =	vst v1  }
0x14: {  	[tilespmem:s18+$0x10] =	vst v1  }
0x15: {  	[tilespmem:s18+$0x20] =	vst v1  }
0x16: {  	[tilespmem:s18+$0x0] =	vst v1  }
0x17: {  	s19 =	simm.s32 $0x2040;
	[tilespmem:s18+$0xFFFFFFD0] =	vst v1  }
0x18: {  	[tilespmem:s19+$0xFFFFFFC0] =	vst v1  }
0x19: {  	[tilespmem:s19+$0x30] =	vst v1  }
0x1a: {  	[tilespmem:s19+$0x20] =	vst v1  }
0x1b: {  	[tilespmem:s19+$0x10] =	vst v1  }
0x1c: {  	[tilespmem:s19+$0xFFFFFFE0] =	vst v1  }
0x1d: {  	[tilespmem:s19+$0x0] =	vst v1  }
0x1e: {  	s20 =	simm.s32 $0x0;
	[tilespmem:s19+$0xFFFFFFF0] =	vst v1  }
.LBB2_2:
0x1f: {  	s20 =	sadd.s32 $0x80, s20;
	[tilespmem:s19+$0xFFFFFFD0] =	vst v1;
	s18 =	sadd.s32 $0x80, s18;
	s19 =	sadd.s32 $0x80, s19  }
0x20: {  	[tilespmem:s18+$0x30] =	vst v1;
	p1 =	slt.u32 s20, $0x1F80  }
0x21: {  	[tilespmem:s18+$0xFFFFFFF0] =	vst v1  }
0x22: {  	[tilespmem:s18+$0xFFFFFFC0] =	vst v1  }
0x23: {  	[tilespmem:s19+$0xFFFFFFC0] =	vst v1  }
0x24: {  	[tilespmem:s19+$0x30] =	vst v1  }
0x25: {  	[tilespmem:s18+$0xFFFFFFE0] =	vst v1  }
0x26: {  	[tilespmem:s18+$0x10] =	vst v1  }
0x27: {  	[tilespmem:s18+$0x20] =	vst v1  }
0x28: {  	[tilespmem:s19+$0x20] =	vst v1  }
0x29: {  	[tilespmem:s19+$0x10] =	vst v1  }
.Ltmp0:
0x2a: {  	[tilespmem:s19+$0xFFFFFFE0] =	vst v1;
	(pc) =	sbr.rel @p1 .LBB2_2-.Ltmp0, $4  }
0x2b: {  	[tilespmem:s18+$0x0] =	vst v1  }
0x2c: {  	[tilespmem:s19+$0x0] =	vst v1  }
0x2d: {  	[tilespmem:s19+$0xFFFFFFF0] =	vst v1  }
0x2e: {  	[tilespmem:s18+$0xFFFFFFD0] =	vst v1  }
0x2f: {  	[tilespmem:s19+$0xFFFFFFD0] =	vst v1  }
0x30: {  	[tilespmem:$0xC000] =	vst v0  }
0x31: {  	[tilespmem:$0xC010] =	vst v2  }
0x32: {  	[tilespmem:$0xC020] =	vst v3  }
0x33: {  	[tilespmem:$0xC030] =	vst v4  }
0x34: {  	[tilespmem:s13], [sflag:$0x2] =	stream.linear.gather [hbm4b:s6+s4], $0x4000, $0x38;
	[tilespmem:$0xC480] =	vst v63  }
0x35: {  	_ =	swait.ge [sflag:s14], $0x4000  }
0x36: {  	[sflag:s14] =	ssyncset.done $0x0  }
0x37: {  	s18 =	simm.s32 $0x4040;
	[sflag:s14] =	ssyncadd.s32 $0xFFFFC000  }
0x38: {  	v10 =	vld [tilespmem:s18+$0x30]  }
0x39: {  	v7 =	vld [tilespmem:s18+$0xFFFFFFD0]  }
0x3a: {  	v8 =	vld [tilespmem:s18+$0xFFFFFFE0]  }
0x3b: {  	v13 =	vld [tilespmem:s18+$0xFFFFFFF0]  }
0x3c: {  	v14 =	vld [tilespmem:s18+$0x0]  }
0x3d: {  	v15 =	vld [tilespmem:s18+$0x10]  }
0x3e: {  	v18 =	vld [tilespmem:s18+$0x20];
	_ =	sdelay $0x1  }
0x3f: {  	v16 =	vadd.f32 $1.000000000e+00, v10;
	v6 =	vadd.f32 $1.000000000e+00, v7;
	v17 =	vshll.u32 v7, $0xC  }
0x40: {  	v7 =	vadd.f32 $1.000000000e+00, v8;
	v20 =	vshll.u32 v8, $0xC;
	v8 =	vadd.f32 $1.000000000e+00, v13  }
0x41: {  	v12 =	vshll.u32 v10, $0xC;
	v10 =	vadd.f32 $1.000000000e+00, v15;
	v29 =	vshll.u32 v13, $0xC  }
0x42: {  	v61 =	vshll.u32 v14, $0xC;
	v30 =	vshll.u32 v15, $0xC;
	v31 =	vshll.u32 v18, $0xC  }
0x43: {  	v12 =	vand.u32 $0x1000, v12;
	v62 =	vand.u32 $0x1000, v17;
	v20 =	vand.u32 $0x1000, v20  }
0x44: {  	v63 =	vand.u32 $0x1000, v29;
	v17 =	vand.u32 $0x1000, v61;
	v9 =	vshra.s32 v16, $0x1F  }
0x45: {  	v21 =	vshra.s32 v6, $0x1F;
	v23 =	vshra.s32 v7, $0x1F;
	v24 =	vshra.s32 v8, $0x1F  }
0x46: {  	v26 =	vshra.s32 v10, $0x1F;
	v11 =	vand.u32 $0x7FF00000, v9;
	v9 =	vadd.f32 $1.000000000e+00, v14  }
0x47: {  	v19 =	vld [tilespmem:s18+$0xFFFFFFC0];
	v21 =	vand.u32 $0x7FF00000, v21;
	v23 =	vand.u32 $0x7FF00000, v23;
	v24 =	vand.u32 $0x7FF00000, v24  }
0x48: {  	v26 =	vand.u32 $0x7FF00000, v26;
	v11 =	vxor.u32 v16, v11;
	v21 =	vxor.u32 v6, v21  }
0x49: {  	v23 =	vxor.u32 v7, v23;
	v16 =	vmax.f32 v16, $0.0e+00;
	v24 =	vxor.u32 v8, v24  }
0x4a: {  	v13 =	vxor.u32 v10, v26;
	v22 =	vshra.s32 v11, $0x14;
	v11 =	vadd.f32 $1.000000000e+00, v18  }
0x4b: {  	v25 =	vshra.s32 v9, $0x1F;
	v21 =	vshra.s32 v21, $0x14;
	v23 =	vshra.s32 v23, $0x14  }
0x4c: {  	v24 =	vshra.s32 v24, $0x14;
	v22 =	vadd.s32 v12, v22;
	v12 =	vadd.f32 $1.000000000e+00, v19  }
0x4d: {  	v13 =	vshra.s32 v13, $0x14;
	v25 =	vand.u32 $0x7FF00000, v25;
	v22 =	vadd.s32 $0x800, v22  }
0x4e: {  	v19 =	vshll.u32 v19, $0xC;
	v21 =	vadd.s32 v62, v21;
	v28 =	vshra.s32 v12, $0x1F  }
0x4f: {  	v27 =	vshra.s32 v11, $0x1F;
	v25 =	vxor.u32 v9, v25;
	v28 =	vand.u32 $0x7FF00000, v28  }
0x50: {  	v19 =	vand.u32 $0x1000, v19;
	v27 =	vand.u32 $0x7FF00000, v27;
	v28 =	vxor.u32 v12, v28  }
0x51: {  	v15 =	vshra.s32 v25, $0x14;
	v60 =	vxor.u32 v11, v27;
	v18 =	vshra.s32 v28, $0x14  }
0x52: {  	v14 =	vshra.s32 v60, $0x14;
	[tilespmem:v22+s4+$0x0] =	vst.idx.add.f32.msk $0xffff, v5;
	v19 =	vadd.s32 v19, v18;
	v18 =	vand.u32 $0x1000, v30  }
0x53: {  	s19 =	simm.s32 $0x40C0;
	s18 =	simm.s32 $0x0;
	[tilespmem:v22+s15+$0x0] =	vst.idx.add.f32.msk $0xffff, v16;
	v16 =	vand.u32 $0x1000, v31;
	v22 =	vadd.s32 v20, v23;
	v20 =	vadd.s32 v63, v24  }
.LBB2_4:
0x54: {  	v23 =	vld [tilespmem:s19+$0x30];
	v15 =	vadd.s32 v17, v15;
	v13 =	vadd.s32 v18, v13;
	v14 =	vadd.s32 v16, v14  }
0x55: {  	s18 =	sadd.s32 $0x80, s18;
	v17 =	vadd.s32 $0x800, v19;
	v18 =	vadd.s32 $0x800, v21;
	v19 =	vadd.s32 $0x800, v22;
	v16 =	vld [tilespmem:s19+$0xFFFFFFD0]  }
0x56: {  	v20 =	vadd.s32 $0x800, v20;
	p1 =	slt.u32 s18, $0x3F80;
	v15 =	vadd.s32 $0x800, v15;
	v13 =	vadd.s32 $0x800, v13;
	v21 =	vld [tilespmem:s19+$0xFFFFFFE0]  }
0x57: {  	v12 =	vmax.f32 v12, $0.0e+00;
	v24 =	vmax.f32 v6, $0.0e+00;
	v25 =	vadd.s32 $0x800, v14;
	v22 =	vld [tilespmem:s19+$0xFFFFFFF0]  }
0x58: {  	v26 =	vmax.f32 v7, $0.0e+00;
	v27 =	vmax.f32 v8, $0.0e+00;
	v28 =	vmax.f32 v9, $0.0e+00;
	v14 =	vld [tilespmem:s19+$0x0]  }
0x59: {  	v31 =	vmax.f32 v10, $0.0e+00;
	v32 =	vmax.f32 v11, $0.0e+00;
	v29 =	vld [tilespmem:s19+$0x10];
	v30 =	vadd.f32 $1.000000000e+00, v23  }
0x5a: {  	v6 =	vadd.f32 $1.000000000e+00, v16;
	v16 =	vshll.u32 v16, $0xC;
	v33 =	vld [tilespmem:s19+$0x20]  }
0x5b: {  	v34 =	vld [tilespmem:s19+$0xFFFFFFC0];
	v7 =	vadd.f32 $1.000000000e+00, v21;
	v21 =	vshll.u32 v21, $0xC;
	v9 =	vshra.s32 v30, $0x1F  }
0x5c: {  	v35 =	vshra.s32 v6, $0x1F;
	v8 =	vadd.f32 $1.000000000e+00, v22;
	v10 =	vand.u32 $0x7FF00000, v9;
	[tilespmem:v17+s4+$0x0] =	vst.idx.add.f32.msk $0xffff, v5  }
0x5d: {  	v23 =	vshll.u32 v23, $0xC;
	v9 =	vadd.f32 $1.000000000e+00, v14;
	v11 =	vxor.u32 v30, v10;
	[tilespmem:v17+s15+$0x0] =	vst.idx.add.f32.msk $0xffff, v12  }
0x5e: {  	v17 =	vand.u32 $0x1000, v23;
	v10 =	vadd.f32 $1.000000000e+00, v29;
	v12 =	vshra.s32 v11, $0x14;
	[tilespmem:v18+s4+$0x0] =	vst.idx.add.f32.msk $0xffff, v5  }
0x5f: {  	v23 =	vshra.s32 v7, $0x1F;
	v11 =	vadd.f32 $1.000000000e+00, v33;
	v17 =	vadd.s32 v17, v12;
	[tilespmem:v18+s15+$0x0] =	vst.idx.add.f32.msk $0xffff, v24  }
0x60: {  	v18 =	vshra.s32 v8, $0x1F;
	v12 =	vadd.f32 $1.000000000e+00, v34;
	v17 =	vadd.s32 $0x800, v17;
	[tilespmem:v19+s4+$0x0] =	vst.idx.add.f32.msk $0xffff, v5  }
0x61: {  	v24 =	vshra.s32 v9, $0x1F;
	v36 =	vshra.s32 v10, $0x1F;
	v37 =	vshra.s32 v11, $0x1F;
	[tilespmem:v19+s15+$0x0] =	vst.idx.add.f32.msk $0xffff, v26  }
0x62: {  	v23 =	vand.u32 $0x7FF00000, v23;
	v26 =	vand.u32 $0x7FF00000, v35;
	v19 =	vshra.s32 v12, $0x1F;
	[tilespmem:v20+s4+$0x0] =	vst.idx.add.f32.msk $0xffff, v5  }
0x63: {  	v18 =	vand.u32 $0x7FF00000, v18;
	v24 =	vand.u32 $0x7FF00000, v24;
	v19 =	vand.u32 $0x7FF00000, v19;
	[tilespmem:v20+s15+$0x0] =	vst.idx.add.f32.msk $0xffff, v27  }
0x64: {  	v20 =	vand.u32 $0x7FF00000, v36;
	v27 =	vand.u32 $0x7FF00000, v37;
	v19 =	vxor.u32 v12, v19;
	[tilespmem:v15+s4+$0x0] =	vst.idx.add.f32.msk $0xffff, v5  }
0x65: {  	v30 =	vmax.f32 v30, $0.0e+00;
	v23 =	vxor.u32 v7, v23;
	v26 =	vxor.u32 v6, v26;
	[tilespmem:v17+s4+$0x0] =	vst.idx.add.f32.msk $0xffff, v5  }
0x66: {  	v34 =	vshll.u32 v34, $0xC;
	v18 =	vxor.u32 v8, v18;
	v24 =	vxor.u32 v9, v24;
	[tilespmem:v17+s15+$0x0] =	vst.idx.add.f32.msk $0xffff, v30  }
0x67: {  	v20 =	vxor.u32 v10, v20;
	v17 =	vshll.u32 v22, $0xC;
	v22 =	vxor.u32 v11, v27;
	[tilespmem:v15+s15+$0x0] =	vst.idx.add.f32.msk $0xffff, v28  }
0x68: {  	v27 =	vshll.u32 v14, $0xC;
	v28 =	vshll.u32 v29, $0xC;
	v29 =	vshll.u32 v33, $0xC;
	[tilespmem:v13+s4+$0x0] =	vst.idx.add.f32.msk $0xffff, v5  }
0x69: {  	v23 =	vshra.s32 v23, $0x14;
	v26 =	vshra.s32 v26, $0x14;
	v19 =	vshra.s32 v19, $0x14;
	[tilespmem:v13+s15+$0x0] =	vst.idx.add.f32.msk $0xffff, v31  }
.Ltmp1:
0x6a: {  	v30 =	vshra.s32 v18, $0x14;
	v15 =	vshra.s32 v24, $0x14;
	v13 =	vshra.s32 v20, $0x14;
	[tilespmem:v25+s4+$0x0] =	vst.idx.add.f32.msk $0xffff, v5;
	(pc) =	sbr.rel @p1 .LBB2_4-.Ltmp1, $4  }
0x6b: {  	v18 =	vand.u32 $0x1000, v34;
	v14 =	vshra.s32 v22, $0x14;
	v20 =	vand.u32 $0x1000, v16;
	[tilespmem:v25+s15+$0x0] =	vst.idx.add.f32.msk $0xffff, v32  }
0x6c: {  	v22 =	vand.u32 $0x1000, v21;
	v24 =	vand.u32 $0x1000, v17;
	v17 =	vand.u32 $0x1000, v27  }
0x6d: {  	v19 =	vadd.s32 v18, v19;
	v18 =	vand.u32 $0x1000, v28;
	v16 =	vand.u32 $0x1000, v29  }
0x6e: {  	s19 =	sadd.s32 $0x80, s19;
	v22 =	vadd.s32 v22, v23;
	v21 =	vadd.s32 v20, v26;
	v20 =	vadd.s32 v24, v30  }
0x6f: {  	v19 =	vadd.s32 $0x800, v19  }
0x70: {  	v21 =	vadd.s32 $0x800, v21  }
0x71: {  	v22 =	vadd.s32 $0x800, v22;
	_ =	sdelay $0x2  }
0x72: {  	[tilespmem:v19+s4+$0x0] =	vst.idx.add.f32.msk $0xffff, v5  }
0x73: {  	[tilespmem:v21+s4+$0x0] =	vst.idx.add.f32.msk $0xffff, v5  }
0x74: {  	v12 =	vmax.f32 v12, $0.0e+00;
	v20 =	vadd.s32 $0x800, v20;
	[tilespmem:v22+s4+$0x0] =	vst.idx.add.f32.msk $0xffff, v5  }
0x75: {  	v6 =	vmax.f32 v6, $0.0e+00;
	[tilespmem:v19+s15+$0x0] =	vst.idx.add.f32.msk $0xffff, v12;
	v12 =	vadd.s32 v17, v15  }
0x76: {  	v7 =	vmax.f32 v7, $0.0e+00;
	[tilespmem:v21+s15+$0x0] =	vst.idx.add.f32.msk $0xffff, v6;
	v6 =	vadd.s32 v18, v13;
	v12 =	vadd.s32 $0x800, v12  }
0x77: {  	[tilespmem:v22+s15+$0x0] =	vst.idx.add.f32.msk $0xffff, v7;
	v7 =	vadd.s32 v16, v14;
	v6 =	vadd.s32 $0x800, v6  }
0x78: {  	v7 =	vadd.s32 $0x800, v7  }
0x79: {  	v8 =	vmax.f32 v8, $0.0e+00;
	[tilespmem:v20+s4+$0x0] =	vst.idx.add.f32.msk $0xffff, v5  }
0x7a: {  	[tilespmem:v20+s15+$0x0] =	vst.idx.add.f32.msk $0xffff, v8  }
0x7b: {  	[tilespmem:v12+s4+$0x0] =	vst.idx.add.f32.msk $0xffff, v5  }
0x7c: {  	[tilespmem:v6+s4+$0x0] =	vst.idx.add.f32.msk $0xffff, v5  }
0x7d: {  	v8 =	vmax.f32 v9, $0.0e+00;
	[tilespmem:v7+s4+$0x0] =	vst.idx.add.f32.msk $0xffff, v5  }
0x7e: {  	[tilespmem:v12+s15+$0x0] =	vst.idx.add.f32.msk $0xffff, v8;
	v8 =	vmax.f32 v10, $0.0e+00  }
0x7f: {  	[tilespmem:v6+s15+$0x0] =	vst.idx.add.f32.msk $0xffff, v8;
	v6 =	vmax.f32 v11, $0.0e+00  }
0x80: {  	[tilespmem:v7+s15+$0x0] =	vst.idx.add.f32.msk $0xffff, v6  }
0x81: {  	[tilespmem:s12], [sflag:$0x1] =	stream.linear.gather [hbm4b:s7+s4], $0x4000, $0x38;
	[tilespmem:$0xC480] =	vst v63  }
0x82: {  	_ =	swait.ge [sflag:s16], $0x4000  }
0x83: {  	[sflag:s16] =	ssyncset.done $0x0  }
0x84: {  	s18 =	simm.s32 $0x8070;
	[sflag:s16] =	ssyncadd.s32 $0xFFFFC000  }
0x85: {  	v10 =	vld [tilespmem:s18+$0x0]  }
0x86: {  	v7 =	vld [tilespmem:s18+$0xFFFFFFA0]  }
0x87: {  	v8 =	vld [tilespmem:s18+$0xFFFFFFB0]  }
0x88: {  	v13 =	vld [tilespmem:s18+$0xFFFFFFC0]  }
0x89: {  	v14 =	vld [tilespmem:s18+$0xFFFFFFD0]  }
0x8a: {  	v15 =	vld [tilespmem:s18+$0xFFFFFFE0]  }
0x8b: {  	v18 =	vld [tilespmem:s18+$0xFFFFFFF0];
	_ =	sdelay $0x1  }
0x8c: {  	v16 =	vadd.f32 $1.000000000e+00, v10;
	v6 =	vadd.f32 $1.000000000e+00, v7;
	v17 =	vshll.u32 v7, $0xC  }
0x8d: {  	v7 =	vadd.f32 $1.000000000e+00, v8;
	v20 =	vshll.u32 v8, $0xC;
	v8 =	vadd.f32 $1.000000000e+00, v13  }
0x8e: {  	v12 =	vshll.u32 v10, $0xC;
	v10 =	vadd.f32 $1.000000000e+00, v15;
	v29 =	vshll.u32 v13, $0xC  }
0x8f: {  	v61 =	vshll.u32 v14, $0xC;
	v30 =	vshll.u32 v15, $0xC;
	v31 =	vshll.u32 v18, $0xC  }
0x90: {  	v12 =	vand.u32 $0x1000, v12;
	v62 =	vand.u32 $0x1000, v17;
	v20 =	vand.u32 $0x1000, v20  }
0x91: {  	v63 =	vand.u32 $0x1000, v29;
	v17 =	vand.u32 $0x1000, v61;
	v9 =	vshra.s32 v16, $0x1F  }
0x92: {  	v21 =	vshra.s32 v6, $0x1F;
	v23 =	vshra.s32 v7, $0x1F;
	v24 =	vshra.s32 v8, $0x1F  }
0x93: {  	v26 =	vshra.s32 v10, $0x1F;
	v11 =	vand.u32 $0x7FF00000, v9;
	v9 =	vadd.f32 $1.000000000e+00, v14  }
0x94: {  	v19 =	vld [tilespmem:s18+$0xFFFFFF90];
	v21 =	vand.u32 $0x7FF00000, v21;
	v23 =	vand.u32 $0x7FF00000, v23;
	v24 =	vand.u32 $0x7FF00000, v24  }
0x95: {  	v26 =	vand.u32 $0x7FF00000, v26;
	v11 =	vxor.u32 v16, v11;
	v21 =	vxor.u32 v6, v21  }
0x96: {  	v23 =	vxor.u32 v7, v23;
	v16 =	vmax.f32 v16, $0.0e+00;
	v24 =	vxor.u32 v8, v24  }
0x97: {  	v13 =	vxor.u32 v10, v26;
	v22 =	vshra.s32 v11, $0x14;
	v11 =	vadd.f32 $1.000000000e+00, v18  }
0x98: {  	v25 =	vshra.s32 v9, $0x1F;
	v21 =	vshra.s32 v21, $0x14;
	v23 =	vshra.s32 v23, $0x14  }
0x99: {  	v24 =	vshra.s32 v24, $0x14;
	v22 =	vadd.s32 v12, v22;
	v12 =	vadd.f32 $1.000000000e+00, v19  }
0x9a: {  	v13 =	vshra.s32 v13, $0x14;
	v25 =	vand.u32 $0x7FF00000, v25;
	v22 =	vadd.s32 $0x800, v22  }
0x9b: {  	v19 =	vshll.u32 v19, $0xC;
	v21 =	vadd.s32 v62, v21;
	v28 =	vshra.s32 v12, $0x1F  }
0x9c: {  	v27 =	vshra.s32 v11, $0x1F;
	v25 =	vxor.u32 v9, v25;
	v28 =	vand.u32 $0x7FF00000, v28  }
0x9d: {  	v19 =	vand.u32 $0x1000, v19;
	v27 =	vand.u32 $0x7FF00000, v27;
	v28 =	vxor.u32 v12, v28  }
0x9e: {  	v15 =	vshra.s32 v25, $0x14;
	v60 =	vxor.u32 v11, v27;
	v18 =	vshra.s32 v28, $0x14  }
0x9f: {  	v14 =	vshra.s32 v60, $0x14;
	[tilespmem:v22+s4+$0x0] =	vst.idx.add.f32.msk $0xffff, v5;
	v19 =	vadd.s32 v19, v18;
	v18 =	vand.u32 $0x1000, v30  }
0xa0: {  	s19 =	simm.s32 $0x80F0;
	s18 =	simm.s32 $0x0;
	[tilespmem:v22+s15+$0x0] =	vst.idx.add.f32.msk $0xffff, v16;
	v16 =	vand.u32 $0x1000, v31;
	v22 =	vadd.s32 v20, v23;
	v20 =	vadd.s32 v63, v24  }
.LBB2_6:
0xa1: {  	v23 =	vld [tilespmem:s19+$0x0];
	v15 =	vadd.s32 v17, v15;
	v13 =	vadd.s32 v18, v13;
	v14 =	vadd.s32 v16, v14  }
0xa2: {  	s18 =	sadd.s32 $0x80, s18;
	v17 =	vadd.s32 $0x800, v19;
	v18 =	vadd.s32 $0x800, v21;
	v19 =	vadd.s32 $0x800, v22;
	v16 =	vld [tilespmem:s19+$0xFFFFFFA0]  }
0xa3: {  	v20 =	vadd.s32 $0x800, v20;
	p1 =	slt.u32 s18, $0x3F80;
	v15 =	vadd.s32 $0x800, v15;
	v13 =	vadd.s32 $0x800, v13;
	v21 =	vld [tilespmem:s19+$0xFFFFFFB0]  }
0xa4: {  	v12 =	vmax.f32 v12, $0.0e+00;
	v24 =	vmax.f32 v6, $0.0e+00;
	v25 =	vadd.s32 $0x800, v14;
	v22 =	vld [tilespmem:s19+$0xFFFFFFC0]  }
0xa5: {  	v26 =	vmax.f32 v7, $0.0e+00;
	v27 =	vmax.f32 v8, $0.0e+00;
	v28 =	vmax.f32 v9, $0.0e+00;
	v14 =	vld [tilespmem:s19+$0xFFFFFFD0]  }
0xa6: {  	v31 =	vmax.f32 v10, $0.0e+00;
	v32 =	vmax.f32 v11, $0.0e+00;
	v29 =	vld [tilespmem:s19+$0xFFFFFFE0];
	v30 =	vadd.f32 $1.000000000e+00, v23  }
0xa7: {  	v6 =	vadd.f32 $1.000000000e+00, v16;
	v16 =	vshll.u32 v16, $0xC;
	v33 =	vld [tilespmem:s19+$0xFFFFFFF0]  }
0xa8: {  	v34 =	vld [tilespmem:s19+$0xFFFFFF90];
	v7 =	vadd.f32 $1.000000000e+00, v21;
	v21 =	vshll.u32 v21, $0xC;
	v9 =	vshra.s32 v30, $0x1F  }
0xa9: {  	v35 =	vshra.s32 v6, $0x1F;
	v8 =	vadd.f32 $1.000000000e+00, v22;
	v10 =	vand.u32 $0x7FF00000, v9;
	[tilespmem:v17+s4+$0x0] =	vst.idx.add.f32.msk $0xffff, v5  }
0xaa: {  	v23 =	vshll.u32 v23, $0xC;
	v9 =	vadd.f32 $1.000000000e+00, v14;
	v11 =	vxor.u32 v30, v10;
	[tilespmem:v17+s15+$0x0] =	vst.idx.add.f32.msk $0xffff, v12  }
0xab: {  	v17 =	vand.u32 $0x1000, v23;
	v10 =	vadd.f32 $1.000000000e+00, v29;
	v12 =	vshra.s32 v11, $0x14;
	[tilespmem:v18+s4+$0x0] =	vst.idx.add.f32.msk $0xffff, v5  }
0xac: {  	v23 =	vshra.s32 v7, $0x1F;
	v11 =	vadd.f32 $1.000000000e+00, v33;
	v17 =	vadd.s32 v17, v12;
	[tilespmem:v18+s15+$0x0] =	vst.idx.add.f32.msk $0xffff, v24  }
0xad: {  	v18 =	vshra.s32 v8, $0x1F;
	v12 =	vadd.f32 $1.000000000e+00, v34;
	v17 =	vadd.s32 $0x800, v17;
	[tilespmem:v19+s4+$0x0] =	vst.idx.add.f32.msk $0xffff, v5  }
0xae: {  	v24 =	vshra.s32 v9, $0x1F;
	v36 =	vshra.s32 v10, $0x1F;
	v37 =	vshra.s32 v11, $0x1F;
	[tilespmem:v19+s15+$0x0] =	vst.idx.add.f32.msk $0xffff, v26  }
0xaf: {  	v23 =	vand.u32 $0x7FF00000, v23;
	v26 =	vand.u32 $0x7FF00000, v35;
	v19 =	vshra.s32 v12, $0x1F;
	[tilespmem:v20+s4+$0x0] =	vst.idx.add.f32.msk $0xffff, v5  }
0xb0: {  	v18 =	vand.u32 $0x7FF00000, v18;
	v24 =	vand.u32 $0x7FF00000, v24;
	v19 =	vand.u32 $0x7FF00000, v19;
	[tilespmem:v20+s15+$0x0] =	vst.idx.add.f32.msk $0xffff, v27  }
0xb1: {  	v20 =	vand.u32 $0x7FF00000, v36;
	v27 =	vand.u32 $0x7FF00000, v37;
	v19 =	vxor.u32 v12, v19;
	[tilespmem:v15+s4+$0x0] =	vst.idx.add.f32.msk $0xffff, v5  }
0xb2: {  	v30 =	vmax.f32 v30, $0.0e+00;
	v23 =	vxor.u32 v7, v23;
	v26 =	vxor.u32 v6, v26;
	[tilespmem:v17+s4+$0x0] =	vst.idx.add.f32.msk $0xffff, v5  }
0xb3: {  	v34 =	vshll.u32 v34, $0xC;
	v18 =	vxor.u32 v8, v18;
	v24 =	vxor.u32 v9, v24;
	[tilespmem:v17+s15+$0x0] =	vst.idx.add.f32.msk $0xffff, v30  }
0xb4: {  	v20 =	vxor.u32 v10, v20;
	v17 =	vshll.u32 v22, $0xC;
	v22 =	vxor.u32 v11, v27;
	[tilespmem:v15+s15+$0x0] =	vst.idx.add.f32.msk $0xffff, v28  }
0xb5: {  	v27 =	vshll.u32 v14, $0xC;
	v28 =	vshll.u32 v29, $0xC;
	v29 =	vshll.u32 v33, $0xC;
	[tilespmem:v13+s4+$0x0] =	vst.idx.add.f32.msk $0xffff, v5  }
0xb6: {  	v23 =	vshra.s32 v23, $0x14;
	v26 =	vshra.s32 v26, $0x14;
	v19 =	vshra.s32 v19, $0x14;
	[tilespmem:v13+s15+$0x0] =	vst.idx.add.f32.msk $0xffff, v31  }
.Ltmp2:
0xb7: {  	v30 =	vshra.s32 v18, $0x14;
	v15 =	vshra.s32 v24, $0x14;
	v13 =	vshra.s32 v20, $0x14;
	[tilespmem:v25+s4+$0x0] =	vst.idx.add.f32.msk $0xffff, v5;
	(pc) =	sbr.rel @p1 .LBB2_6-.Ltmp2, $4  }
0xb8: {  	v18 =	vand.u32 $0x1000, v34;
	v14 =	vshra.s32 v22, $0x14;
	v20 =	vand.u32 $0x1000, v16;
	[tilespmem:v25+s15+$0x0] =	vst.idx.add.f32.msk $0xffff, v32  }
0xb9: {  	v22 =	vand.u32 $0x1000, v21;
	v24 =	vand.u32 $0x1000, v17;
	v17 =	vand.u32 $0x1000, v27  }
0xba: {  	v19 =	vadd.s32 v18, v19;
	v18 =	vand.u32 $0x1000, v28;
	v16 =	vand.u32 $0x1000, v29  }
0xbb: {  	s19 =	sadd.s32 $0x80, s19;
	v22 =	vadd.s32 v22, v23;
	v21 =	vadd.s32 v20, v26;
	v20 =	vadd.s32 v24, v30  }
0xbc: {  	v19 =	vadd.s32 $0x800, v19  }
0xbd: {  	v21 =	vadd.s32 $0x800, v21  }
0xbe: {  	v22 =	vadd.s32 $0x800, v22;
	_ =	sdelay $0x2  }
0xbf: {  	[tilespmem:v19+s4+$0x0] =	vst.idx.add.f32.msk $0xffff, v5  }
0xc0: {  	[tilespmem:v21+s4+$0x0] =	vst.idx.add.f32.msk $0xffff, v5  }
0xc1: {  	v12 =	vmax.f32 v12, $0.0e+00;
	v20 =	vadd.s32 $0x800, v20;
	[tilespmem:v22+s4+$0x0] =	vst.idx.add.f32.msk $0xffff, v5  }
0xc2: {  	v6 =	vmax.f32 v6, $0.0e+00;
	[tilespmem:v19+s15+$0x0] =	vst.idx.add.f32.msk $0xffff, v12;
	v12 =	vadd.s32 v17, v15  }
0xc3: {  	v7 =	vmax.f32 v7, $0.0e+00;
	[tilespmem:v21+s15+$0x0] =	vst.idx.add.f32.msk $0xffff, v6;
	v6 =	vadd.s32 v18, v13;
	v12 =	vadd.s32 $0x800, v12  }
0xc4: {  	[tilespmem:v22+s15+$0x0] =	vst.idx.add.f32.msk $0xffff, v7;
	v7 =	vadd.s32 v16, v14;
	v6 =	vadd.s32 $0x800, v6  }
0xc5: {  	v7 =	vadd.s32 $0x800, v7  }
0xc6: {  	v8 =	vmax.f32 v8, $0.0e+00;
	[tilespmem:v20+s4+$0x0] =	vst.idx.add.f32.msk $0xffff, v5  }
0xc7: {  	[tilespmem:v20+s15+$0x0] =	vst.idx.add.f32.msk $0xffff, v8  }
0xc8: {  	[tilespmem:v12+s4+$0x0] =	vst.idx.add.f32.msk $0xffff, v5  }
0xc9: {  	[tilespmem:v6+s4+$0x0] =	vst.idx.add.f32.msk $0xffff, v5  }
0xca: {  	v8 =	vmax.f32 v9, $0.0e+00;
	[tilespmem:v7+s4+$0x0] =	vst.idx.add.f32.msk $0xffff, v5  }
0xcb: {  	[tilespmem:v12+s15+$0x0] =	vst.idx.add.f32.msk $0xffff, v8;
	v8 =	vmax.f32 v10, $0.0e+00  }
0xcc: {  	[tilespmem:v6+s15+$0x0] =	vst.idx.add.f32.msk $0xffff, v8;
	v6 =	vmax.f32 v11, $0.0e+00  }
0xcd: {  	[tilespmem:v7+s15+$0x0] =	vst.idx.add.f32.msk $0xffff, v6  }
0xce: {  	[tilespmem:s13], [sflag:$0x2] =	stream.linear.gather [hbm4b:s8+s4], $0x4000, $0x38;
	[tilespmem:$0xC480] =	vst v63  }
0xcf: {  	_ =	swait.ge [sflag:s14], $0x4000  }
0xd0: {  	[sflag:s14] =	ssyncset.done $0x0  }
0xd1: {  	s18 =	simm.s32 $0x4040;
	[sflag:s14] =	ssyncadd.s32 $0xFFFFC000  }
0xd2: {  	v10 =	vld [tilespmem:s18+$0x30]  }
0xd3: {  	v7 =	vld [tilespmem:s18+$0xFFFFFFD0]  }
0xd4: {  	v8 =	vld [tilespmem:s18+$0xFFFFFFE0]  }
0xd5: {  	v13 =	vld [tilespmem:s18+$0xFFFFFFF0]  }
0xd6: {  	v14 =	vld [tilespmem:s18+$0x0]  }
0xd7: {  	v15 =	vld [tilespmem:s18+$0x10]  }
0xd8: {  	v18 =	vld [tilespmem:s18+$0x20];
	_ =	sdelay $0x1  }
0xd9: {  	v16 =	vadd.f32 $1.000000000e+00, v10;
	v6 =	vadd.f32 $1.000000000e+00, v7;
	v17 =	vshll.u32 v7, $0xC  }
0xda: {  	v7 =	vadd.f32 $1.000000000e+00, v8;
	v20 =	vshll.u32 v8, $0xC;
	v8 =	vadd.f32 $1.000000000e+00, v13  }
0xdb: {  	v12 =	vshll.u32 v10, $0xC;
	v10 =	vadd.f32 $1.000000000e+00, v15;
	v29 =	vshll.u32 v13, $0xC  }
0xdc: {  	v61 =	vshll.u32 v14, $0xC;
	v30 =	vshll.u32 v15, $0xC;
	v31 =	vshll.u32 v18, $0xC  }
0xdd: {  	v12 =	vand.u32 $0x1000, v12;
	v62 =	vand.u32 $0x1000, v17;
	v20 =	vand.u32 $0x1000, v20  }
0xde: {  	v63 =	vand.u32 $0x1000, v29;
	v17 =	vand.u32 $0x1000, v61;
	v9 =	vshra.s32 v16, $0x1F  }
0xdf: {  	v21 =	vshra.s32 v6, $0x1F;
	v23 =	vshra.s32 v7, $0x1F;
	v24 =	vshra.s32 v8, $0x1F  }
0xe0: {  	v26 =	vshra.s32 v10, $0x1F;
	v11 =	vand.u32 $0x7FF00000, v9;
	v9 =	vadd.f32 $1.000000000e+00, v14  }
0xe1: {  	v19 =	vld [tilespmem:s18+$0xFFFFFFC0];
	v21 =	vand.u32 $0x7FF00000, v21;
	v23 =	vand.u32 $0x7FF00000, v23;
	v24 =	vand.u32 $0x7FF00000, v24  }
0xe2: {  	v26 =	vand.u32 $0x7FF00000, v26;
	v11 =	vxor.u32 v16, v11;
	v21 =	vxor.u32 v6, v21  }
0xe3: {  	v23 =	vxor.u32 v7, v23;
	v16 =	vmax.f32 v16, $0.0e+00;
	v24 =	vxor.u32 v8, v24  }
0xe4: {  	v13 =	vxor.u32 v10, v26;
	v22 =	vshra.s32 v11, $0x14;
	v11 =	vadd.f32 $1.000000000e+00, v18  }
0xe5: {  	v25 =	vshra.s32 v9, $0x1F;
	v21 =	vshra.s32 v21, $0x14;
	v23 =	vshra.s32 v23, $0x14  }
0xe6: {  	v24 =	vshra.s32 v24, $0x14;
	v22 =	vadd.s32 v12, v22;
	v12 =	vadd.f32 $1.000000000e+00, v19  }
0xe7: {  	v13 =	vshra.s32 v13, $0x14;
	v25 =	vand.u32 $0x7FF00000, v25;
	v22 =	vadd.s32 $0x800, v22  }
0xe8: {  	v19 =	vshll.u32 v19, $0xC;
	v21 =	vadd.s32 v62, v21;
	v28 =	vshra.s32 v12, $0x1F  }
0xe9: {  	v27 =	vshra.s32 v11, $0x1F;
	v25 =	vxor.u32 v9, v25;
	v28 =	vand.u32 $0x7FF00000, v28  }
0xea: {  	v19 =	vand.u32 $0x1000, v19;
	v27 =	vand.u32 $0x7FF00000, v27;
	v28 =	vxor.u32 v12, v28  }
0xeb: {  	v15 =	vshra.s32 v25, $0x14;
	v60 =	vxor.u32 v11, v27;
	v18 =	vshra.s32 v28, $0x14  }
0xec: {  	v14 =	vshra.s32 v60, $0x14;
	[tilespmem:v22+s4+$0x0] =	vst.idx.add.f32.msk $0xffff, v5;
	v19 =	vadd.s32 v19, v18;
	v18 =	vand.u32 $0x1000, v30  }
0xed: {  	s19 =	simm.s32 $0x40C0;
	s18 =	simm.s32 $0x0;
	[tilespmem:v22+s15+$0x0] =	vst.idx.add.f32.msk $0xffff, v16;
	v16 =	vand.u32 $0x1000, v31;
	v22 =	vadd.s32 v20, v23;
	v20 =	vadd.s32 v63, v24  }
.LBB2_8:
0xee: {  	v23 =	vld [tilespmem:s19+$0x30];
	v15 =	vadd.s32 v17, v15;
	v13 =	vadd.s32 v18, v13;
	v14 =	vadd.s32 v16, v14  }
0xef: {  	s18 =	sadd.s32 $0x80, s18;
	v17 =	vadd.s32 $0x800, v19;
	v18 =	vadd.s32 $0x800, v21;
	v19 =	vadd.s32 $0x800, v22;
	v16 =	vld [tilespmem:s19+$0xFFFFFFD0]  }
0xf0: {  	v20 =	vadd.s32 $0x800, v20;
	p1 =	slt.u32 s18, $0x3F80;
	v15 =	vadd.s32 $0x800, v15;
	v13 =	vadd.s32 $0x800, v13;
	v21 =	vld [tilespmem:s19+$0xFFFFFFE0]  }
0xf1: {  	v12 =	vmax.f32 v12, $0.0e+00;
	v24 =	vmax.f32 v6, $0.0e+00;
	v25 =	vadd.s32 $0x800, v14;
	v22 =	vld [tilespmem:s19+$0xFFFFFFF0]  }
0xf2: {  	v26 =	vmax.f32 v7, $0.0e+00;
	v27 =	vmax.f32 v8, $0.0e+00;
	v28 =	vmax.f32 v9, $0.0e+00;
	v14 =	vld [tilespmem:s19+$0x0]  }
0xf3: {  	v31 =	vmax.f32 v10, $0.0e+00;
	v32 =	vmax.f32 v11, $0.0e+00;
	v29 =	vld [tilespmem:s19+$0x10];
	v30 =	vadd.f32 $1.000000000e+00, v23  }
0xf4: {  	v6 =	vadd.f32 $1.000000000e+00, v16;
	v16 =	vshll.u32 v16, $0xC;
	v33 =	vld [tilespmem:s19+$0x20]  }
0xf5: {  	v34 =	vld [tilespmem:s19+$0xFFFFFFC0];
	v7 =	vadd.f32 $1.000000000e+00, v21;
	v21 =	vshll.u32 v21, $0xC;
	v9 =	vshra.s32 v30, $0x1F  }
0xf6: {  	v35 =	vshra.s32 v6, $0x1F;
	v8 =	vadd.f32 $1.000000000e+00, v22;
	v10 =	vand.u32 $0x7FF00000, v9;
	[tilespmem:v17+s4+$0x0] =	vst.idx.add.f32.msk $0xffff, v5  }
0xf7: {  	v23 =	vshll.u32 v23, $0xC;
	v9 =	vadd.f32 $1.000000000e+00, v14;
	v11 =	vxor.u32 v30, v10;
	[tilespmem:v17+s15+$0x0] =	vst.idx.add.f32.msk $0xffff, v12  }
0xf8: {  	v17 =	vand.u32 $0x1000, v23;
	v10 =	vadd.f32 $1.000000000e+00, v29;
	v12 =	vshra.s32 v11, $0x14;
	[tilespmem:v18+s4+$0x0] =	vst.idx.add.f32.msk $0xffff, v5  }
0xf9: {  	v23 =	vshra.s32 v7, $0x1F;
	v11 =	vadd.f32 $1.000000000e+00, v33;
	v17 =	vadd.s32 v17, v12;
	[tilespmem:v18+s15+$0x0] =	vst.idx.add.f32.msk $0xffff, v24  }
0xfa: {  	v18 =	vshra.s32 v8, $0x1F;
	v12 =	vadd.f32 $1.000000000e+00, v34;
	v17 =	vadd.s32 $0x800, v17;
	[tilespmem:v19+s4+$0x0] =	vst.idx.add.f32.msk $0xffff, v5  }
0xfb: {  	v24 =	vshra.s32 v9, $0x1F;
	v36 =	vshra.s32 v10, $0x1F;
	v37 =	vshra.s32 v11, $0x1F;
	[tilespmem:v19+s15+$0x0] =	vst.idx.add.f32.msk $0xffff, v26  }
0xfc: {  	v23 =	vand.u32 $0x7FF00000, v23;
	v26 =	vand.u32 $0x7FF00000, v35;
	v19 =	vshra.s32 v12, $0x1F;
	[tilespmem:v20+s4+$0x0] =	vst.idx.add.f32.msk $0xffff, v5  }
0xfd: {  	v18 =	vand.u32 $0x7FF00000, v18;
	v24 =	vand.u32 $0x7FF00000, v24;
	v19 =	vand.u32 $0x7FF00000, v19;
	[tilespmem:v20+s15+$0x0] =	vst.idx.add.f32.msk $0xffff, v27  }
0xfe: {  	v20 =	vand.u32 $0x7FF00000, v36;
	v27 =	vand.u32 $0x7FF00000, v37;
	v19 =	vxor.u32 v12, v19;
	[tilespmem:v15+s4+$0x0] =	vst.idx.add.f32.msk $0xffff, v5  }
0xff: {  	v30 =	vmax.f32 v30, $0.0e+00;
	v23 =	vxor.u32 v7, v23;
	v26 =	vxor.u32 v6, v26;
	[tilespmem:v17+s4+$0x0] =	vst.idx.add.f32.msk $0xffff, v5  }
0x100: {  	v34 =	vshll.u32 v34, $0xC;
	v18 =	vxor.u32 v8, v18;
	v24 =	vxor.u32 v9, v24;
	[tilespmem:v17+s15+$0x0] =	vst.idx.add.f32.msk $0xffff, v30  }
0x101: {  	v20 =	vxor.u32 v10, v20;
	v17 =	vshll.u32 v22, $0xC;
	v22 =	vxor.u32 v11, v27;
	[tilespmem:v15+s15+$0x0] =	vst.idx.add.f32.msk $0xffff, v28  }
0x102: {  	v27 =	vshll.u32 v14, $0xC;
	v28 =	vshll.u32 v29, $0xC;
	v29 =	vshll.u32 v33, $0xC;
	[tilespmem:v13+s4+$0x0] =	vst.idx.add.f32.msk $0xffff, v5  }
0x103: {  	v23 =	vshra.s32 v23, $0x14;
	v26 =	vshra.s32 v26, $0x14;
	v19 =	vshra.s32 v19, $0x14;
	[tilespmem:v13+s15+$0x0] =	vst.idx.add.f32.msk $0xffff, v31  }
.Ltmp3:
0x104: {  	v30 =	vshra.s32 v18, $0x14;
	v15 =	vshra.s32 v24, $0x14;
	v13 =	vshra.s32 v20, $0x14;
	[tilespmem:v25+s4+$0x0] =	vst.idx.add.f32.msk $0xffff, v5;
	(pc) =	sbr.rel @p1 .LBB2_8-.Ltmp3, $4  }
0x105: {  	v18 =	vand.u32 $0x1000, v34;
	v14 =	vshra.s32 v22, $0x14;
	v20 =	vand.u32 $0x1000, v16;
	[tilespmem:v25+s15+$0x0] =	vst.idx.add.f32.msk $0xffff, v32  }
0x106: {  	v22 =	vand.u32 $0x1000, v21;
	v24 =	vand.u32 $0x1000, v17;
	v17 =	vand.u32 $0x1000, v27  }
0x107: {  	v19 =	vadd.s32 v18, v19;
	v18 =	vand.u32 $0x1000, v28;
	v16 =	vand.u32 $0x1000, v29  }
0x108: {  	s19 =	sadd.s32 $0x80, s19;
	v22 =	vadd.s32 v22, v23;
	v21 =	vadd.s32 v20, v26;
	v20 =	vadd.s32 v24, v30  }
0x109: {  	v19 =	vadd.s32 $0x800, v19  }
0x10a: {  	v21 =	vadd.s32 $0x800, v21  }
0x10b: {  	v22 =	vadd.s32 $0x800, v22;
	_ =	sdelay $0x2  }
0x10c: {  	[tilespmem:v19+s4+$0x0] =	vst.idx.add.f32.msk $0xffff, v5  }
0x10d: {  	[tilespmem:v21+s4+$0x0] =	vst.idx.add.f32.msk $0xffff, v5  }
0x10e: {  	v12 =	vmax.f32 v12, $0.0e+00;
	v20 =	vadd.s32 $0x800, v20;
	[tilespmem:v22+s4+$0x0] =	vst.idx.add.f32.msk $0xffff, v5  }
0x10f: {  	v6 =	vmax.f32 v6, $0.0e+00;
	[tilespmem:v19+s15+$0x0] =	vst.idx.add.f32.msk $0xffff, v12;
	v12 =	vadd.s32 v17, v15  }
0x110: {  	v7 =	vmax.f32 v7, $0.0e+00;
	[tilespmem:v21+s15+$0x0] =	vst.idx.add.f32.msk $0xffff, v6;
	v6 =	vadd.s32 v18, v13;
	v12 =	vadd.s32 $0x800, v12  }
0x111: {  	[tilespmem:v22+s15+$0x0] =	vst.idx.add.f32.msk $0xffff, v7;
	v7 =	vadd.s32 v16, v14;
	v6 =	vadd.s32 $0x800, v6  }
0x112: {  	v7 =	vadd.s32 $0x800, v7  }
0x113: {  	v8 =	vmax.f32 v8, $0.0e+00;
	[tilespmem:v20+s4+$0x0] =	vst.idx.add.f32.msk $0xffff, v5  }
0x114: {  	[tilespmem:v20+s15+$0x0] =	vst.idx.add.f32.msk $0xffff, v8  }
0x115: {  	[tilespmem:v12+s4+$0x0] =	vst.idx.add.f32.msk $0xffff, v5  }
0x116: {  	[tilespmem:v6+s4+$0x0] =	vst.idx.add.f32.msk $0xffff, v5  }
0x117: {  	v8 =	vmax.f32 v9, $0.0e+00;
	[tilespmem:v7+s4+$0x0] =	vst.idx.add.f32.msk $0xffff, v5  }
0x118: {  	[tilespmem:v12+s15+$0x0] =	vst.idx.add.f32.msk $0xffff, v8;
	v8 =	vmax.f32 v10, $0.0e+00  }
0x119: {  	[tilespmem:v6+s15+$0x0] =	vst.idx.add.f32.msk $0xffff, v8;
	v6 =	vmax.f32 v11, $0.0e+00  }
0x11a: {  	[tilespmem:v7+s15+$0x0] =	vst.idx.add.f32.msk $0xffff, v6  }
0x11b: {  	_ =	swait.ge [sflag:s16], $0x4000  }
0x11c: {  	[sflag:s16] =	ssyncset.done $0x0  }
0x11d: {  	s18 =	simm.s32 $0x8070;
	[sflag:s16] =	ssyncadd.s32 $0xFFFFC000  }
0x11e: {  	v10 =	vld [tilespmem:s18+$0x0]  }
0x11f: {  	v7 =	vld [tilespmem:s18+$0xFFFFFFA0]  }
0x120: {  	v8 =	vld [tilespmem:s18+$0xFFFFFFB0]  }
0x121: {  	v13 =	vld [tilespmem:s18+$0xFFFFFFC0]  }
0x122: {  	v14 =	vld [tilespmem:s18+$0xFFFFFFD0]  }
0x123: {  	v15 =	vld [tilespmem:s18+$0xFFFFFFE0]  }
0x124: {  	v18 =	vld [tilespmem:s18+$0xFFFFFFF0];
	_ =	sdelay $0x1  }
0x125: {  	v16 =	vadd.f32 $1.000000000e+00, v10;
	v6 =	vadd.f32 $1.000000000e+00, v7;
	v17 =	vshll.u32 v7, $0xC  }
0x126: {  	v7 =	vadd.f32 $1.000000000e+00, v8;
	v20 =	vshll.u32 v8, $0xC;
	v8 =	vadd.f32 $1.000000000e+00, v13  }
0x127: {  	v12 =	vshll.u32 v10, $0xC;
	v10 =	vadd.f32 $1.000000000e+00, v15;
	v29 =	vshll.u32 v13, $0xC  }
0x128: {  	v61 =	vshll.u32 v14, $0xC;
	v30 =	vshll.u32 v15, $0xC;
	v31 =	vshll.u32 v18, $0xC  }
0x129: {  	v12 =	vand.u32 $0x1000, v12;
	v62 =	vand.u32 $0x1000, v17;
	v20 =	vand.u32 $0x1000, v20  }
0x12a: {  	v63 =	vand.u32 $0x1000, v29;
	v17 =	vand.u32 $0x1000, v61;
	v9 =	vshra.s32 v16, $0x1F  }
0x12b: {  	v21 =	vshra.s32 v6, $0x1F;
	v23 =	vshra.s32 v7, $0x1F;
	v24 =	vshra.s32 v8, $0x1F  }
0x12c: {  	v26 =	vshra.s32 v10, $0x1F;
	v11 =	vand.u32 $0x7FF00000, v9;
	v9 =	vadd.f32 $1.000000000e+00, v14  }
0x12d: {  	v19 =	vld [tilespmem:s18+$0xFFFFFF90];
	v21 =	vand.u32 $0x7FF00000, v21;
	v23 =	vand.u32 $0x7FF00000, v23;
	v24 =	vand.u32 $0x7FF00000, v24  }
0x12e: {  	v26 =	vand.u32 $0x7FF00000, v26;
	v11 =	vxor.u32 v16, v11;
	v21 =	vxor.u32 v6, v21  }
0x12f: {  	v23 =	vxor.u32 v7, v23;
	v16 =	vmax.f32 v16, $0.0e+00;
	v24 =	vxor.u32 v8, v24  }
0x130: {  	v13 =	vxor.u32 v10, v26;
	v22 =	vshra.s32 v11, $0x14;
	v11 =	vadd.f32 $1.000000000e+00, v18  }
0x131: {  	v25 =	vshra.s32 v9, $0x1F;
	v21 =	vshra.s32 v21, $0x14;
	v23 =	vshra.s32 v23, $0x14  }
0x132: {  	v24 =	vshra.s32 v24, $0x14;
	v22 =	vadd.s32 v12, v22;
	v12 =	vadd.f32 $1.000000000e+00, v19  }
0x133: {  	v13 =	vshra.s32 v13, $0x14;
	v25 =	vand.u32 $0x7FF00000, v25;
	v22 =	vadd.s32 $0x800, v22  }
0x134: {  	v19 =	vshll.u32 v19, $0xC;
	v21 =	vadd.s32 v62, v21;
	v28 =	vshra.s32 v12, $0x1F  }
0x135: {  	v27 =	vshra.s32 v11, $0x1F;
	v25 =	vxor.u32 v9, v25;
	v28 =	vand.u32 $0x7FF00000, v28  }
0x136: {  	v19 =	vand.u32 $0x1000, v19;
	v27 =	vand.u32 $0x7FF00000, v27;
	v28 =	vxor.u32 v12, v28  }
0x137: {  	v15 =	vshra.s32 v25, $0x14;
	v60 =	vxor.u32 v11, v27;
	v18 =	vshra.s32 v28, $0x14  }
0x138: {  	v14 =	vshra.s32 v60, $0x14;
	[tilespmem:v22+s4+$0x0] =	vst.idx.add.f32.msk $0xffff, v5;
	v19 =	vadd.s32 v19, v18;
	v18 =	vand.u32 $0x1000, v30  }
0x139: {  	s19 =	simm.s32 $0x80F0;
	s18 =	simm.s32 $0x0;
	[tilespmem:v22+s15+$0x0] =	vst.idx.add.f32.msk $0xffff, v16;
	v16 =	vand.u32 $0x1000, v31;
	v22 =	vadd.s32 v20, v23;
	v20 =	vadd.s32 v63, v24  }
.LBB2_10:
0x13a: {  	v23 =	vld [tilespmem:s19+$0x0];
	v15 =	vadd.s32 v17, v15;
	v13 =	vadd.s32 v18, v13;
	v14 =	vadd.s32 v16, v14  }
0x13b: {  	s18 =	sadd.s32 $0x80, s18;
	v17 =	vadd.s32 $0x800, v19;
	v18 =	vadd.s32 $0x800, v21;
	v19 =	vadd.s32 $0x800, v22;
	v16 =	vld [tilespmem:s19+$0xFFFFFFA0]  }
0x13c: {  	v20 =	vadd.s32 $0x800, v20;
	p1 =	slt.u32 s18, $0x3F80;
	v15 =	vadd.s32 $0x800, v15;
	v13 =	vadd.s32 $0x800, v13;
	v21 =	vld [tilespmem:s19+$0xFFFFFFB0]  }
0x13d: {  	v12 =	vmax.f32 v12, $0.0e+00;
	v24 =	vmax.f32 v6, $0.0e+00;
	v25 =	vadd.s32 $0x800, v14;
	v22 =	vld [tilespmem:s19+$0xFFFFFFC0]  }
0x13e: {  	v26 =	vmax.f32 v7, $0.0e+00;
	v27 =	vmax.f32 v8, $0.0e+00;
	v28 =	vmax.f32 v9, $0.0e+00;
	v14 =	vld [tilespmem:s19+$0xFFFFFFD0]  }
0x13f: {  	v31 =	vmax.f32 v10, $0.0e+00;
	v32 =	vmax.f32 v11, $0.0e+00;
	v29 =	vld [tilespmem:s19+$0xFFFFFFE0];
	v30 =	vadd.f32 $1.000000000e+00, v23  }
0x140: {  	v6 =	vadd.f32 $1.000000000e+00, v16;
	v16 =	vshll.u32 v16, $0xC;
	v33 =	vld [tilespmem:s19+$0xFFFFFFF0]  }
0x141: {  	v34 =	vld [tilespmem:s19+$0xFFFFFF90];
	v7 =	vadd.f32 $1.000000000e+00, v21;
	v21 =	vshll.u32 v21, $0xC;
	v9 =	vshra.s32 v30, $0x1F  }
0x142: {  	v35 =	vshra.s32 v6, $0x1F;
	v8 =	vadd.f32 $1.000000000e+00, v22;
	v10 =	vand.u32 $0x7FF00000, v9;
	[tilespmem:v17+s4+$0x0] =	vst.idx.add.f32.msk $0xffff, v5  }
0x143: {  	v23 =	vshll.u32 v23, $0xC;
	v9 =	vadd.f32 $1.000000000e+00, v14;
	v11 =	vxor.u32 v30, v10;
	[tilespmem:v17+s15+$0x0] =	vst.idx.add.f32.msk $0xffff, v12  }
0x144: {  	v17 =	vand.u32 $0x1000, v23;
	v10 =	vadd.f32 $1.000000000e+00, v29;
	v12 =	vshra.s32 v11, $0x14;
	[tilespmem:v18+s4+$0x0] =	vst.idx.add.f32.msk $0xffff, v5  }
0x145: {  	v23 =	vshra.s32 v7, $0x1F;
	v11 =	vadd.f32 $1.000000000e+00, v33;
	v17 =	vadd.s32 v17, v12;
	[tilespmem:v18+s15+$0x0] =	vst.idx.add.f32.msk $0xffff, v24  }
0x146: {  	v18 =	vshra.s32 v8, $0x1F;
	v12 =	vadd.f32 $1.000000000e+00, v34;
	v17 =	vadd.s32 $0x800, v17;
	[tilespmem:v19+s4+$0x0] =	vst.idx.add.f32.msk $0xffff, v5  }
0x147: {  	v24 =	vshra.s32 v9, $0x1F;
	v36 =	vshra.s32 v10, $0x1F;
	v37 =	vshra.s32 v11, $0x1F;
	[tilespmem:v19+s15+$0x0] =	vst.idx.add.f32.msk $0xffff, v26  }
0x148: {  	v23 =	vand.u32 $0x7FF00000, v23;
	v26 =	vand.u32 $0x7FF00000, v35;
	v19 =	vshra.s32 v12, $0x1F;
	[tilespmem:v20+s4+$0x0] =	vst.idx.add.f32.msk $0xffff, v5  }
0x149: {  	v18 =	vand.u32 $0x7FF00000, v18;
	v24 =	vand.u32 $0x7FF00000, v24;
	v19 =	vand.u32 $0x7FF00000, v19;
	[tilespmem:v20+s15+$0x0] =	vst.idx.add.f32.msk $0xffff, v27  }
0x14a: {  	v20 =	vand.u32 $0x7FF00000, v36;
	v27 =	vand.u32 $0x7FF00000, v37;
	v19 =	vxor.u32 v12, v19;
	[tilespmem:v15+s4+$0x0] =	vst.idx.add.f32.msk $0xffff, v5  }
0x14b: {  	v30 =	vmax.f32 v30, $0.0e+00;
	v23 =	vxor.u32 v7, v23;
	v26 =	vxor.u32 v6, v26;
	[tilespmem:v17+s4+$0x0] =	vst.idx.add.f32.msk $0xffff, v5  }
0x14c: {  	v34 =	vshll.u32 v34, $0xC;
	v18 =	vxor.u32 v8, v18;
	v24 =	vxor.u32 v9, v24;
	[tilespmem:v17+s15+$0x0] =	vst.idx.add.f32.msk $0xffff, v30  }
0x14d: {  	v20 =	vxor.u32 v10, v20;
	v17 =	vshll.u32 v22, $0xC;
	v22 =	vxor.u32 v11, v27;
	[tilespmem:v15+s15+$0x0] =	vst.idx.add.f32.msk $0xffff, v28  }
0x14e: {  	v27 =	vshll.u32 v14, $0xC;
	v28 =	vshll.u32 v29, $0xC;
	v29 =	vshll.u32 v33, $0xC;
	[tilespmem:v13+s4+$0x0] =	vst.idx.add.f32.msk $0xffff, v5  }
0x14f: {  	v23 =	vshra.s32 v23, $0x14;
	v26 =	vshra.s32 v26, $0x14;
	v19 =	vshra.s32 v19, $0x14;
	[tilespmem:v13+s15+$0x0] =	vst.idx.add.f32.msk $0xffff, v31  }
.Ltmp4:
0x150: {  	v30 =	vshra.s32 v18, $0x14;
	v15 =	vshra.s32 v24, $0x14;
	v13 =	vshra.s32 v20, $0x14;
	[tilespmem:v25+s4+$0x0] =	vst.idx.add.f32.msk $0xffff, v5;
	(pc) =	sbr.rel @p1 .LBB2_10-.Ltmp4, $4  }
0x151: {  	v18 =	vand.u32 $0x1000, v34;
	v14 =	vshra.s32 v22, $0x14;
	v20 =	vand.u32 $0x1000, v16;
	[tilespmem:v25+s15+$0x0] =	vst.idx.add.f32.msk $0xffff, v32  }
0x152: {  	v22 =	vand.u32 $0x1000, v21;
	v24 =	vand.u32 $0x1000, v17;
	v17 =	vand.u32 $0x1000, v27  }
0x153: {  	v19 =	vadd.s32 v18, v19;
	v18 =	vand.u32 $0x1000, v28;
	v16 =	vand.u32 $0x1000, v29  }
0x154: {  	s19 =	sadd.s32 $0x80, s19;
	v22 =	vadd.s32 v22, v23;
	v21 =	vadd.s32 v20, v26;
	v20 =	vadd.s32 v24, v30  }
0x155: {  	v19 =	vadd.s32 $0x800, v19  }
0x156: {  	v21 =	vadd.s32 $0x800, v21  }
0x157: {  	v22 =	vadd.s32 $0x800, v22;
	_ =	sdelay $0x2  }
0x158: {  	[tilespmem:v19+s4+$0x0] =	vst.idx.add.f32.msk $0xffff, v5  }
0x159: {  	v20 =	vadd.s32 $0x800, v20;
	[tilespmem:v21+s4+$0x0] =	vst.idx.add.f32.msk $0xffff, v5  }
0x15a: {  	v12 =	vmax.f32 v12, $0.0e+00;
	v61 =	vadd.s32 v17, v15;
	[tilespmem:v22+s4+$0x0] =	vst.idx.add.f32.msk $0xffff, v5  }
0x15b: {  	v6 =	vmax.f32 v6, $0.0e+00;
	[tilespmem:v19+s15+$0x0] =	vst.idx.add.f32.msk $0xffff, v12;
	v12 =	vadd.s32 $0x800, v61  }
0x15c: {  	v7 =	vmax.f32 v7, $0.0e+00;
	[tilespmem:v21+s15+$0x0] =	vst.idx.add.f32.msk $0xffff, v6;
	v6 =	vadd.s32 v18, v13  }
0x15d: {  	[tilespmem:v22+s15+$0x0] =	vst.idx.add.f32.msk $0xffff, v7;
	v7 =	vadd.s32 v16, v14;
	v6 =	vadd.s32 $0x800, v6  }
0x15e: {  	v8 =	vmax.f32 v8, $0.0e+00;
	[tilespmem:v20+s4+$0x0] =	vst.idx.add.f32.msk $0xffff, v5;
	v7 =	vadd.s32 $0x800, v7  }
0x15f: {  	[tilespmem:v20+s15+$0x0] =	vst.idx.add.f32.msk $0xffff, v8  }
0x160: {  	v62 =	vmax.f32 v9, $0.0e+00;
	[tilespmem:v12+s4+$0x0] =	vst.idx.add.f32.msk $0xffff, v5  }
0x161: {  	[tilespmem:v12+s15+$0x0] =	vst.idx.add.f32.msk $0xffff, v62  }
0x162: {  	[tilespmem:v6+s4+$0x0] =	vst.idx.add.f32.msk $0xffff, v5  }
0x163: {  	v63 =	vmax.f32 v10, $0.0e+00;
	[tilespmem:v7+s4+$0x0] =	vst.idx.add.f32.msk $0xffff, v5  }
0x164: {  	[tilespmem:v6+s15+$0x0] =	vst.idx.add.f32.msk $0xffff, v63;
	v6 =	vmax.f32 v11, $0.0e+00  }
0x165: {  	[tilespmem:v7+s15+$0x0] =	vst.idx.add.f32.msk $0xffff, v6  }
0x166: {  	s18 =	simm.s32 @p0 $0x0;
	[bflag:$0x0] =	sbarrier.arrive $0xFFFF  }
0x167: {  	[spmem:s1] =	stream.linear.scatter @p0 [tilespmem:s18], [sflag:$0x3], $0x2000, $0x38;
	[tilespmem:$0xC480] =	vst v63  }
0x168: {  	s18 =	simm.s32 @p0 $0x3  }
0x169: {  	_ =	swait.ge @p0 [sflag:s18], $0x2000  }
0x16a: {  	[sflag:s18] =	ssyncset.done @p0 $0x0  }
0x16b: {  	s19 =	simm.s32 @p0 $0x2000;
	[sflag:s18] =	ssyncadd.s32 @p0 $0xFFFFE000  }
0x16c: {  	[spmem:s2] =	stream.linear.scatter @p0 [tilespmem:s19], [sflag:$0x3], $0x2000, $0x38;
	[tilespmem:$0xC480] =	vst v63  }
0x16d: {  	_ =	swait.ge @p0 [sflag:s18], $0x2000  }
0x16e: {  	[sflag:s18] =	ssyncset.done @p0 $0x0  }
0x16f: {  	[sflag:s18] =	ssyncadd.s32 @p0 $0xFFFFE000  }
0x170: {  	[bflag:$0x0] =	sbarrier.arrive @p0 $0xFFFF  }
0x171: {  	s20 =	simm.s32 @p0 $0x1C03;
	s19 =	sshrl.u32 @p0 s1, $0x3;
	[bflag:$0x0] =	sbarrier.arrive @p0 $0xFFFF  }
0x172: {  	[hbm:s9], [sflag:s20] =	dma.local @p0 [spmem:s19], $0x400  }
0x173: {  	_ =	swait.ge @p0 [sflag:s18], $0x400  }
0x174: {  	[sflag:s18] =	ssyncset.done @p0 $0x0  }
0x175: {  	s19 =	sshrl.u32 @p0 s2, $0x3;
	[sflag:s18] =	ssyncadd.s32 @p0 $0xFFFFFC00  }
0x176: {  	[hbm:s10], [sflag:s20] =	dma.local @p0 [spmem:s19], $0x400  }
0x177: {  	_ =	swait.ge @p0 [sflag:s18], $0x400  }
0x178: {  	[sflag:s18] =	ssyncset.done @p0 $0x0  }
0x179: {  	s19 =	simm.s32 @!p0 $0xC000;
	[sflag:s18] =	ssyncadd.s32 @p0 $0xFFFFFC00  }
0x17a: {  	s20 =	simm.s32 @!p0 $0x0;
	s18 =	simm.s32 @!p0 $0x40;
	[bflag:$0x0] =	sbarrier.arrive @!p0 $0xFFFF  }
0x17b: {  	[spmem:s1] =	stream.indirect.scatter.add.f32 @!p0 [tilespmem:s20], [sflag:$0x3], $0x80, s19, s18, $0xb8;
	[tilespmem:$0xC480] =	vst v63  }
0x17c: {  	s20 =	simm.s32 @!p0 $0x3  }
0x17d: {  	_ =	swait.ge @!p0 [sflag:s20], $0x2000  }
0x17e: {  	s17 =	sadd.s32 $0x1, s17;
	[sflag:s20] =	ssyncset.done @!p0 $0x0  }
0x17f: {  	s21 =	simm.s32 @!p0 $0x2000;
	p1 =	sne.s32 s17, s11;
	[sflag:s20] =	ssyncadd.s32 @!p0 $0xFFFFE000  }
0x180: {  	[spmem:s2] =	stream.indirect.scatter.add.f32 @!p0 [tilespmem:s21], [sflag:$0x3], $0x80, s19, s18, $0xb8;
	[tilespmem:$0xC480] =	vst v63  }
.Ltmp5:
0x181: {  	_ =	swait.ge @!p0 [sflag:s20], $0x2000;
	(pc) =	sbr.rel @p1 .LBB2_1-.Ltmp5, $3  }
0x182: {  	[sflag:s20] =	ssyncset.done @!p0 $0x0  }
0x183: {  	[sflag:s20] =	ssyncadd.s32 @!p0 $0xFFFFE000  }
0x184: {  	[bflag:$0x0] =	sbarrier.arrive @!p0 $0xFFFF;
	_ =	sdelay $0x1  }
0x185: {  	_ =	sfence.sel $0x180000  }
0x186: {  	[bflag:$0x0] =	sbarrier.arrive $0xFFFF  }
0x187: {  	p0 =	sne.s32 s3, $0x0;
	_ =	strace $0x90000047  }
0x188: {  	s0 =	sadd.s32 @!p0 $0x100000, s0;
	[bflag:$0x2] =	sbarrier.arrive $0xFFFF  }
0x189: {  	[sflag:s0] =	ssyncadd.tile.s32 @!p0 $0x1;
	_ =	shalt  }
.Lfunc_end2:
_tile_overlayer_lowered:
.L_overlay_start_2:
0x18a: {  	(tag) =	ssettag $0x2  }
0x18b: {  	s0 =	rddreg [dreg:$0x0];
	s2 =	stileid.u32  }
0x18c: {  	s1 =	rddreg [dreg:$0x1];
	p0 =	sne.s32 s2, $0x0  }
0x18d: {  	s3 =	rddreg [dreg:$0x2];
	[bflag:$0x3] =	sbarrier.arrive $0xFFFF;
	s2 =	simm.s32 @!p0 $0x1C03  }
0x18e: {  	[timem:s3], [sflag:s2] =	dma.local @!p0 [hbm:s0], s1  }
0x18f: {  	s0 =	simm.s32 @!p0 $0x3  }
0x190: {  	_ =	swait.ge @!p0 [sflag:s0], s1  }
0x191: {  	s1 =	ssub.s32 @!p0 $0x0, s1;
	[sflag:s0] =	ssyncset.done @!p0 $0x0  }
0x192: {  	[sflag:s0] =	ssyncadd.s32 @!p0 s1  }
0x193: {  	[bflag:$0x3] =	sbarrier.arrive $0xFFFF  }
0x194: {  	_ =	shalt  }

</sc_bundles>
